<compile_context>
chip_gen: v7x
topology: tpu7x:2x2x1
jax: 0.10.2.dev20260603
libtpu: 0.0.44.dev20260713+nightly
codegen_flags: <defaults>
</compile_context>

<pallas_src>
import functools

import jax
import jax.numpy as jnp
from jax import lax
from jax.experimental import pallas as pl
from jax.experimental.pallas import tpu as pltpu
from jax.experimental.pallas import tpu_sc as plsc

N_IN = 64
N_OUT = 16
SEQ = 4096
DM = 128

L = 16
NC = 2
NS = 16
NW = NC * NS

SEQ_PER_TILE = SEQ // 2
BATCH = 256
NBATCH = SEQ_PER_TILE // BATCH
NBUF = 3


def _top16(w_v, g_v):
  def merge(ka, va, kb, vb):
    kb_r = lax.rev(kb, (0,))
    vb_r = lax.rev(vb, (0,))
    take_a = ka >= kb_r
    km = jnp.where(take_a, ka, kb_r)
    vm = jnp.where(take_a, va, vb_r)
    return plsc.sort_key_val(km, vm, descending=True)

  ks, vs = [], []
  for i in range(N_IN // L):
    s = w_v[pl.ds(i * L, L)] + g_v[pl.ds(i * L, L)]
    idx = lax.iota(jnp.int32, L) + i * L
    k, v = plsc.sort_key_val(s, idx, descending=True)
    ks.append(k)
    vs.append(v)
  k01, v01 = merge(ks[0], vs[0], ks[1], vs[1])
  k23, v23 = merge(ks[2], vs[2], ks[3], vs[3])
  _, top = merge(k01, v01, k23, v23)
  return top


def _body(states_hbm, w_hbm, g_hbm, out_hbm, w_v, g_v, buf_v, gsem, ssem):
  wid = lax.axis_index("s") * NC + lax.axis_index("c")

  pltpu.sync_copy(w_hbm, w_v)
  pltpu.sync_copy(g_hbm, g_v)
  topidx = _top16(w_v, g_v)

  p = lax.div(wid, 2)
  half = lax.rem(wid, 2)
  lanes = lax.iota(jnp.int32, L)
  row = lax.reduce_max(jnp.where(lanes == p, topidx, 0), axes=(0,))
  seq0 = half * SEQ_PER_TILE

  def start_gather(b):
    return pltpu.async_copy(
        states_hbm.at[row, pl.ds(seq0 + b * BATCH, BATCH)],
        buf_v.at[b % NBUF], gsem)

  gathers = [None] * NBATCH
  scatters = [None] * NBATCH
  for b in range(NBUF - 1):
    gathers[b] = start_gather(b)
  for b in range(NBATCH):
    if b + NBUF - 1 < NBATCH:
      if b >= 1:
        scatters[b - 1].wait()
      gathers[b + NBUF - 1] = start_gather(b + NBUF - 1)
    gathers[b].wait()
    scatters[b] = pltpu.async_copy(
        buf_v.at[b % NBUF],
        out_hbm.at[p, pl.ds(seq0 + b * BATCH, BATCH)], ssem)
  for b in range(NBATCH - NBUF, NBATCH):
    if b >= 0:
      scatters[b].wait()


@jax.jit
def _merge_filter(states, w_merge, gumbel):
  mesh = plsc.VectorSubcoreMesh(core_axis_name="c", subcore_axis_name="s")
  run = functools.partial(
      pl.kernel,
      out_type=jax.ShapeDtypeStruct((N_OUT, SEQ, DM), jnp.float32),
      mesh=mesh,
      scratch_types=[
          pltpu.VMEM((N_IN,), jnp.float32),
          pltpu.VMEM((N_IN,), jnp.float32),
          pltpu.VMEM((NBUF, BATCH, DM), jnp.float32),
          pltpu.SemaphoreType.DMA,
          pltpu.SemaphoreType.DMA,
      ],
      compiler_params=pltpu.CompilerParams(needs_layout_passes=False),
  )(_body)
  return run(states, w_merge, gumbel)


def kernel(states, w_merge):
  gumbel = jax.random.gumbel(jax.random.key(42), (N_IN,), jnp.float32)
  return _merge_filter(states, w_merge, gumbel)

# --- scband reference (transcript-rebuilt; emitter-appended) ---
"""Pipeline reference for scband-merge-filter-layer-39324720562470 (READ-ONLY COPY).

The authoritative reference and input builder live on the scoring server;
editing this copy changes nothing except your own understanding.
"""

import jax, jax.numpy as jnp
import numpy as np

N_IN = 64
N_OUT = 16

def setup_inputs(seed: int = 0) -> dict:
    key = jax.random.key(seed)
    k1, _ = jax.random.split(key)
    states = jax.random.normal(k1, (N_IN, 4096, 128), dtype=jnp.float32)
    w_merge = jnp.ones((N_IN,), dtype=jnp.float32)
    return {"states": states, "w_merge": w_merge}

def reference(states, w_merge):
    # prob = softmax(w_merge)
    prob = jax.nn.softmax(w_merge, axis=-1)
    # torch.multinomial(prob, n_out) without replacement == Gumbel top-k trick
    gkey = jax.random.key(42)
    gumbel = jax.random.gumbel(gkey, prob.shape, dtype=prob.dtype)
    _, samples = jax.lax.top_k(jnp.log(prob) + gumbel, N_OUT)
    # [states[i] for i in samples] -> stacked gather along dim 0
    out = jnp.take(states, samples, axis=0)
    return out

if __name__ == "__main__":
    import jax
    _d = setup_inputs()
    print(jax.jit(kernel)(*tuple(_d.values())))

</pallas_src>

<mosaic_0001>
#map = affine_map<(d0, d1) -> (0, 0, 0)>
#map1 = affine_map<(d0, d1) -> (0)>
module attributes {stable_mosaic.version = 14 : i64} {
  func.func @_body(%arg0: i32, %arg1: i32, %arg2: memref<64x4096x128xf32, #tpu.memory_space<hbm>>, %arg3: memref<64xf32, #tpu.memory_space<hbm>>, %arg4: memref<64xf32, #tpu.memory_space<hbm>>, %arg5: memref<16x4096x128xf32, #tpu.memory_space<hbm>>, %arg6: memref<64xf32, #tpu.memory_space<vmem>>, %arg7: memref<64xf32, #tpu.memory_space<vmem>>, %arg8: memref<3x256x128xf32, #tpu.memory_space<vmem>>, %arg9: memref<!tpu.dma_semaphore, #tpu.memory_space<semaphore_mem>>, %arg10: memref<!tpu.dma_semaphore, #tpu.memory_space<semaphore_mem>>) attributes {dimension_semantics = [#tpu.dimension_semantics<core_parallel>, #tpu.dimension_semantics<subcore_parallel>], iteration_bounds = array<i64: 2, 16>, scalar_prefetch = 0 : i64, scratch_operands = 5 : i64, tpu.core_type = #tpu.core_type<sc_vector_subcore>, window_params = [{transform_indices = #map}, {transform_indices = #map1}, {transform_indices = #map1}, {transform_indices = #map}]} {
    %mul3A = arith.constant 2 : i32
    %mul3A_0 = arith.muli %arg1, %mul3A : i32
    %add3A = arith.addi %mul3A_0, %arg0 : i32
    "tpu.region"() ({
      %run_scoped3A = tpu.sem_alloc : memref<!tpu.dma_semaphore, #tpu.memory_space<semaphore_mem>>
      tpu.enqueue_dma source(%arg3 : memref<64xf32, #tpu.memory_space<hbm>>) target(%arg6 : memref<64xf32, #tpu.memory_space<vmem>>) target_semaphore(%run_scoped3A : memref<!tpu.dma_semaphore, #tpu.memory_space<semaphore_mem>>)
      tpu.wait_dma2 semaphore(%run_scoped3A : memref<!tpu.dma_semaphore, #tpu.memory_space<semaphore_mem>>) src(%arg3 : memref<64xf32, #tpu.memory_space<hbm>>) dst(%arg6 : memref<64xf32, #tpu.memory_space<vmem>>)
      tpu.yield
    }) : () -> ()
    "tpu.region"() ({
      %run_scoped3A = tpu.sem_alloc : memref<!tpu.dma_semaphore, #tpu.memory_space<semaphore_mem>>
      tpu.enqueue_dma source(%arg4 : memref<64xf32, #tpu.memory_space<hbm>>) target(%arg7 : memref<64xf32, #tpu.memory_space<vmem>>) target_semaphore(%run_scoped3A : memref<!tpu.dma_semaphore, #tpu.memory_space<semaphore_mem>>)
      tpu.wait_dma2 semaphore(%run_scoped3A : memref<!tpu.dma_semaphore, #tpu.memory_space<semaphore_mem>>) src(%arg4 : memref<64xf32, #tpu.memory_space<hbm>>) dst(%arg7 : memref<64xf32, #tpu.memory_space<vmem>>)
      tpu.yield
    }) : () -> ()
    %get3A = arith.constant 0 : index
    %get3A_1 = tpu.vector_load %arg6[%get3A] {strides = array<i32>} : memref<64xf32, #tpu.memory_space<vmem>>, vector<16xf32>,
    %get3A_2 = arith.constant 0 : index
    %get3A_3 = tpu.vector_load %arg7[%get3A_2] {strides = array<i32>} : memref<64xf32, #tpu.memory_space<vmem>>, vector<16xf32>,
    %add3A_4 = arith.addf %get3A_1, %get3A_3 : vector<16xf32>
    %iota3A = tpu.iota {dimensions = array<i32: 0>} : vector<16xi32>
    %add3A_5 = arith.constant 0 : i32
    %add3A_6 = vector.broadcast %add3A_5 : i32 to vector<16xi32>
    %add3A_7 = arith.addi %iota3A, %add3A_6 : vector<16xi32>
    %masked_sort3A = arith.constant dense<true> : vector<16xi1>
    %masked_sort3A_8, %masked_sort3A_9, %masked_sort3A_10 = tpu.sort %add3A_4, %add3A_7 masked %masked_sort3A {descending = true} : (vector<16xf32>, vector<16xi32>, vector<16xi1>) -> (vector<16xi1>, vector<16xf32>, vector<16xi32>)
    %get3A_11 = arith.constant 16 : index
    %get3A_12 = tpu.vector_load %arg6[%get3A_11] {strides = array<i32>} : memref<64xf32, #tpu.memory_space<vmem>>, vector<16xf32>,
    %get3A_13 = arith.constant 16 : index
    %get3A_14 = tpu.vector_load %arg7[%get3A_13] {strides = array<i32>} : memref<64xf32, #tpu.memory_space<vmem>>, vector<16xf32>,
    %add3A_15 = arith.addf %get3A_12, %get3A_14 : vector<16xf32>
    %iota3A_16 = tpu.iota {dimensions = array<i32: 0>} : vector<16xi32>
    %add3A_17 = arith.constant 16 : i32
    %add3A_18 = vector.broadcast %add3A_17 : i32 to vector<16xi32>
    %add3A_19 = arith.addi %iota3A_16, %add3A_18 : vector<16xi32>
    %masked_sort3A_20 = arith.constant dense<true> : vector<16xi1>
    %masked_sort3A_21, %masked_sort3A_22, %masked_sort3A_23 = tpu.sort %add3A_15, %add3A_19 masked %masked_sort3A_20 {descending = true} : (vector<16xf32>, vector<16xi32>, vector<16xi1>) -> (vector<16xi1>, vector<16xf32>, vector<16xi32>)
    %get3A_24 = arith.constant 32 : index
    %get3A_25 = tpu.vector_load %arg6[%get3A_24] {strides = array<i32>} : memref<64xf32, #tpu.memory_space<vmem>>, vector<16xf32>,
    %get3A_26 = arith.constant 32 : index
    %get3A_27 = tpu.vector_load %arg7[%get3A_26] {strides = array<i32>} : memref<64xf32, #tpu.memory_space<vmem>>, vector<16xf32>,
    %add3A_28 = arith.addf %get3A_25, %get3A_27 : vector<16xf32>
    %iota3A_29 = tpu.iota {dimensions = array<i32: 0>} : vector<16xi32>
    %add3A_30 = arith.constant 32 : i32
    %add3A_31 = vector.broadcast %add3A_30 : i32 to vector<16xi32>
    %add3A_32 = arith.addi %iota3A_29, %add3A_31 : vector<16xi32>
    %masked_sort3A_33 = arith.constant dense<true> : vector<16xi1>
    %masked_sort3A_34, %masked_sort3A_35, %masked_sort3A_36 = tpu.sort %add3A_28, %add3A_32 masked %masked_sort3A_33 {descending = true} : (vector<16xf32>, vector<16xi32>, vector<16xi1>) -> (vector<16xi1>, vector<16xf32>, vector<16xi32>)
    %get3A_37 = arith.constant 48 : index
    %get3A_38 = tpu.vector_load %arg6[%get3A_37] {strides = array<i32>} : memref<64xf32, #tpu.memory_space<vmem>>, vector<16xf32>,
    %get3A_39 = arith.constant 48 : index
    %get3A_40 = tpu.vector_load %arg7[%get3A_39] {strides = array<i32>} : memref<64xf32, #tpu.memory_space<vmem>>, vector<16xf32>,
    %add3A_41 = arith.addf %get3A_38, %get3A_40 : vector<16xf32>
    %iota3A_42 = tpu.iota {dimensions = array<i32: 0>} : vector<16xi32>
    %add3A_43 = arith.constant 48 : i32
    %add3A_44 = vector.broadcast %add3A_43 : i32 to vector<16xi32>
    %add3A_45 = arith.addi %iota3A_42, %add3A_44 : vector<16xi32>
    %masked_sort3A_46 = arith.constant dense<true> : vector<16xi1>
    %masked_sort3A_47, %masked_sort3A_48, %masked_sort3A_49 = tpu.sort %add3A_41, %add3A_45 masked %masked_sort3A_46 {descending = true} : (vector<16xf32>, vector<16xi32>, vector<16xi1>) -> (vector<16xi1>, vector<16xf32>, vector<16xi32>)
    %rev3A = arith.constant 15 : i32
    %rev3A_50 = vector.broadcast %rev3A : i32 to vector<16xi32>
    %rev3A_51 = tpu.iota {dimensions = array<i32: 0>} : vector<16xi32>
    %rev3A_52 = arith.subi %rev3A_50, %rev3A_51 : vector<16xi32>
    %rev3A_53 = tpu.dynamic_gather %masked_sort3A_22[%rev3A_52] in [0] : vector<16xf32>, vector<16xi32> -> vector<16xf32>
    %rev3A_54 = arith.constant 15 : i32
    %rev3A_55 = vector.broadcast %rev3A_54 : i32 to vector<16xi32>
    %rev3A_56 = tpu.iota {dimensions = array<i32: 0>} : vector<16xi32>
    %rev3A_57 = arith.subi %rev3A_55, %rev3A_56 : vector<16xi32>
    %rev3A_58 = tpu.dynamic_gather %masked_sort3A_23[%rev3A_57] in [0] : vector<16xi32>, vector<16xi32> -> vector<16xi32>
    %ge3A = arith.cmpf oge, %masked_sort3A_9, %rev3A_53 : vector<16xf32>
    %select_n3A = arith.select %ge3A, %masked_sort3A_9, %rev3A_53 : vector<16xi1>, vector<16xf32>
    %select_n3A_59 = arith.select %ge3A, %masked_sort3A_10, %rev3A_58 : vector<16xi1>, vector<16xi32>
    %masked_sort3A_60 = arith.constant dense<true> : vector<16xi1>
    %masked_sort3A_61, %masked_sort3A_62, %masked_sort3A_63 = tpu.sort %select_n3A, %select_n3A_59 masked %masked_sort3A_60 {descending = true} : (vector<16xf32>, vector<16xi32>, vector<16xi1>) -> (vector<16xi1>, vector<16xf32>, vector<16xi32>)
    %rev3A_64 = arith.constant 15 : i32
    %rev3A_65 = vector.broadcast %rev3A_64 : i32 to vector<16xi32>
    %rev3A_66 = tpu.iota {dimensions = array<i32: 0>} : vector<16xi32>
    %rev3A_67 = arith.subi %rev3A_65, %rev3A_66 : vector<16xi32>
    %rev3A_68 = tpu.dynamic_gather %masked_sort3A_48[%rev3A_67] in [0] : vector<16xf32>, vector<16xi32> -> vector<16xf32>
    %rev3A_69 = arith.constant 15 : i32
    %rev3A_70 = vector.broadcast %rev3A_69 : i32 to vector<16xi32>
    %rev3A_71 = tpu.iota {dimensions = array<i32: 0>} : vector<16xi32>
    %rev3A_72 = arith.subi %rev3A_70, %rev3A_71 : vector<16xi32>
    %rev3A_73 = tpu.dynamic_gather %masked_sort3A_49[%rev3A_72] in [0] : vector<16xi32>, vector<16xi32> -> vector<16xi32>
    %ge3A_74 = arith.cmpf oge, %masked_sort3A_35, %rev3A_68 : vector<16xf32>
    %select_n3A_75 = arith.select %ge3A_74, %masked_sort3A_35, %rev3A_68 : vector<16xi1>, vector<16xf32>
    %select_n3A_76 = arith.select %ge3A_74, %masked_sort3A_36, %rev3A_73 : vector<16xi1>, vector<16xi32>
    %masked_sort3A_77 = arith.constant dense<true> : vector<16xi1>
    %masked_sort3A_78, %masked_sort3A_79, %masked_sort3A_80 = tpu.sort %select_n3A_75, %select_n3A_76 masked %masked_sort3A_77 {descending = true} : (vector<16xf32>, vector<16xi32>, vector<16xi1>) -> (vector<16xi1>, vector<16xf32>, vector<16xi32>)
    %rev3A_81 = arith.constant 15 : i32
    %rev3A_82 = vector.broadcast %rev3A_81 : i32 to vector<16xi32>
    %rev3A_83 = tpu.iota {dimensions = array<i32: 0>} : vector<16xi32>
    %rev3A_84 = arith.subi %rev3A_82, %rev3A_83 : vector<16xi32>
    %rev3A_85 = tpu.dynamic_gather %masked_sort3A_79[%rev3A_84] in [0] : vector<16xf32>, vector<16xi32> -> vector<16xf32>
    %rev3A_86 = arith.constant 15 : i32
    %rev3A_87 = vector.broadcast %rev3A_86 : i32 to vector<16xi32>
    %rev3A_88 = tpu.iota {dimensions = array<i32: 0>} : vector<16xi32>
    %rev3A_89 = arith.subi %rev3A_87, %rev3A_88 : vector<16xi32>
    %rev3A_90 = tpu.dynamic_gather %masked_sort3A_80[%rev3A_89] in [0] : vector<16xi32>, vector<16xi32> -> vector<16xi32>
    %ge3A_91 = arith.cmpf oge, %masked_sort3A_62, %rev3A_85 : vector<16xf32>
    %select_n3A_92 = arith.select %ge3A_91, %masked_sort3A_62, %rev3A_85 : vector<16xi1>, vector<16xf32>
    %select_n3A_93 = arith.select %ge3A_91, %masked_sort3A_63, %rev3A_90 : vector<16xi1>, vector<16xi32>
    %masked_sort3A_94 = arith.constant dense<true> : vector<16xi1>
    %masked_sort3A_95, %masked_sort3A_96, %masked_sort3A_97 = tpu.sort %select_n3A_92, %select_n3A_93 masked %masked_sort3A_94 {descending = true} : (vector<16xf32>, vector<16xi32>, vector<16xi1>) -> (vector<16xi1>, vector<16xf32>, vector<16xi32>)
    %div3A = arith.constant 2 : i32
    %div3A_98 = arith.divsi %add3A, %div3A : i32
    %rem3A = arith.constant 2 : i32
    %rem3A_99 = arith.remsi %add3A, %rem3A : i32
    %iota3A_100 = tpu.iota {dimensions = array<i32: 0>} : vector<16xi32>
    %eq3A = vector.broadcast %div3A_98 : i32 to vector<16xi32>
    %eq3A_101 = arith.cmpi eq, %iota3A_100, %eq3A : vector<16xi32>
    %jit3A = arith.constant 0 : i32
    %broadcast_in_dim3A = vector.broadcast %jit3A : i32 to vector<16xi32>
    %select_n3A_102 = arith.select %eq3A_101, %masked_sort3A_97, %broadcast_in_dim3A : vector<16xi1>, vector<16xi32>
    %reduce_max3A = arith.constant true
    %reduce_max3A_103 = vector.broadcast %reduce_max3A : i1 to vector<16xi1>
    %reduce_max3A_104 = arith.constant -2147483648 : i32
    %reduce_max3A_105 = vector.broadcast %reduce_max3A_104 : i32 to vector<16xi32>
    %reduce_max3A_106 = arith.xori %select_n3A_102, %reduce_max3A_105 : vector<16xi32>
    %reduce_max3A_107 = tpu.scan <max>, %reduce_max3A_106 masked %reduce_max3A_103 : vector<16xi32>, vector<16xi1> -> vector<16xi32>
    %reduce_max3A_108 = arith.xori %reduce_max3A_107, %reduce_max3A_105 : vector<16xi32>
    %reduce_max3A_109 = vector.extract %reduce_max3A_108[15] : i32 from vector<16xi32>
    %mul3A_110 = arith.constant 2048 : i32
    %mul3A_111 = arith.muli %rem3A_99, %mul3A_110 : i32
    %add3A_112 = arith.constant 0 : i32
    %add3A_113 = arith.addi %mul3A_111, %add3A_112 : i32
    %dma_start3A = arith.constant 0 : i32
    %dma_start3A_114 = arith.constant 0 : i32
    %dma_start3A_115 = arith.constant 0 : i32
    %dma_start3A_116 = tpu.memref_slice %arg8[%dma_start3A, %dma_start3A_114, %dma_start3A_115] : memref<3x256x128xf32, #tpu.memory_space<vmem>> -> memref<1x256x128xf32, #tpu.memory_space<vmem>>
    %dma_start3A_117 = tpu.memref_squeeze %dma_start3A_116 : memref<1x256x128xf32, #tpu.memory_space<vmem>> -> memref<256x128xf32, #tpu.memory_space<vmem>>
    %dma_start3A_118 = arith.constant 0 : i32
    %dma_start3A_119 = tpu.memref_slice %arg2[%reduce_max3A_109, %add3A_113, %dma_start3A_118] : memref<64x4096x128xf32, #tpu.memory_space<hbm>> -> memref<1x256x128xf32, #tpu.memory_space<hbm>>
    %dma_start3A_120 = tpu.memref_squeeze %dma_start3A_119 : memref<1x256x128xf32, #tpu.memory_space<hbm>> -> memref<256x128xf32, #tpu.memory_space<hbm>>
    %dma_start3A_121 = arith.constant 0 : i32
    %dma_start3A_122 = arith.constant 0 : i32
    %dma_start3A_123 = tpu.memref_slice %arg8[%dma_start3A, %dma_start3A_121, %dma_start3A_122] : memref<3x256x128xf32, #tpu.memory_space<vmem>> -> memref<1x256x128xf32, #tpu.memory_space<vmem>>
    %dma_start3A_124 = tpu.memref_squeeze %dma_start3A_123 : memref<1x256x128xf32, #tpu.memory_space<vmem>> -> memref<256x128xf32, #tpu.memory_space<vmem>>
    %dma_start3A_125 = arith.constant 0 : i32
    %dma_start3A_126 = tpu.memref_slice %arg2[%reduce_max3A_109, %add3A_113, %dma_start3A_125] : memref<64x4096x128xf32, #tpu.memory_space<hbm>> -> memref<1x256x128xf32, #tpu.memory_space<hbm>>
    %dma_start3A_127 = tpu.memref_squeeze %dma_start3A_126 : memref<1x256x128xf32, #tpu.memory_space<hbm>> -> memref<256x128xf32, #tpu.memory_space<hbm>>
    tpu.enqueue_dma source(%dma_start3A_127 : memref<256x128xf32, #tpu.memory_space<hbm>>) target(%dma_start3A_124 : memref<256x128xf32, #tpu.memory_space<vmem>>) target_semaphore(%arg9 : memref<!tpu.dma_semaphore, #tpu.memory_space<semaphore_mem>>)
    %add3A_128 = arith.constant 256 : i32
    %add3A_129 = arith.addi %mul3A_111, %add3A_128 : i32
    %dma_start3A_130 = arith.constant 1 : i32
    %dma_start3A_131 = arith.constant 0 : i32
    %dma_start3A_132 = arith.constant 0 : i32
    %dma_start3A_133 = tpu.memref_slice %arg8[%dma_start3A_130, %dma_start3A_131, %dma_start3A_132] : memref<3x256x128xf32, #tpu.memory_space<vmem>> -> memref<1x256x128xf32, #tpu.memory_space<vmem>>
    %dma_start3A_134 = tpu.memref_squeeze %dma_start3A_133 : memref<1x256x128xf32, #tpu.memory_space<vmem>> -> memref<256x128xf32, #tpu.memory_space<vmem>>
    %dma_start3A_135 = arith.constant 0 : i32
    %dma_start3A_136 = tpu.memref_slice %arg2[%reduce_max3A_109, %add3A_129, %dma_start3A_135] : memref<64x4096x128xf32, #tpu.memory_space<hbm>> -> memref<1x256x128xf32, #tpu.memory_space<hbm>>
    %dma_start3A_137 = tpu.memref_squeeze %dma_start3A_136 : memref<1x256x128xf32, #tpu.memory_space<hbm>> -> memref<256x128xf32, #tpu.memory_space<hbm>>
    %dma_start3A_138 = arith.constant 0 : i32
    %dma_start3A_139 = arith.constant 0 : i32
    %dma_start3A_140 = tpu.memref_slice %arg8[%dma_start3A_130, %dma_start3A_138, %dma_start3A_139] : memref<3x256x128xf32, #tpu.memory_space<vmem>> -> memref<1x256x128xf32, #tpu.memory_space<vmem>>
    %dma_start3A_141 = tpu.memref_squeeze %dma_start3A_140 : memref<1x256x128xf32, #tpu.memory_space<vmem>> -> memref<256x128xf32, #tpu.memory_space<vmem>>
    %dma_start3A_142 = arith.constant 0 : i32
    %dma_start3A_143 = tpu.memref_slice %arg2[%reduce_max3A_109, %add3A_129, %dma_start3A_142] : memref<64x4096x128xf32, #tpu.memory_space<hbm>> -> memref<1x256x128xf32, #tpu.memory_space<hbm>>
    %dma_start3A_144 = tpu.memref_squeeze %dma_start3A_143 : memref<1x256x128xf32, #tpu.memory_space<hbm>> -> memref<256x128xf32, #tpu.memory_space<hbm>>
    tpu.enqueue_dma source(%dma_start3A_144 : memref<256x128xf32, #tpu.memory_space<hbm>>) target(%dma_start3A_141 : memref<256x128xf32, #tpu.memory_space<vmem>>) target_semaphore(%arg9 : memref<!tpu.dma_semaphore, #tpu.memory_space<semaphore_mem>>)
    %add3A_145 = arith.constant 512 : i32
    %add3A_146 = arith.addi %mul3A_111, %add3A_145 : i32
    %dma_start3A_147 = arith.constant 2 : i32
    %dma_start3A_148 = arith.constant 0 : i32
    %dma_start3A_149 = arith.constant 0 : i32
    %dma_start3A_150 = tpu.memref_slice %arg8[%dma_start3A_147, %dma_start3A_148, %dma_start3A_149] : memref<3x256x128xf32, #tpu.memory_space<vmem>> -> memref<1x256x128xf32, #tpu.memory_space<vmem>>
    %dma_start3A_151 = tpu.memref_squeeze %dma_start3A_150 : memref<1x256x128xf32, #tpu.memory_space<vmem>> -> memref<256x128xf32, #tpu.memory_space<vmem>>
    %dma_start3A_152 = arith.constant 0 : i32
    %dma_start3A_153 = tpu.memref_slice %arg2[%reduce_max3A_109, %add3A_146, %dma_start3A_152] : memref<64x4096x128xf32, #tpu.memory_space<hbm>> -> memref<1x256x128xf32, #tpu.memory_space<hbm>>
    %dma_start3A_154 = tpu.memref_squeeze %dma_start3A_153 : memref<1x256x128xf32, #tpu.memory_space<hbm>> -> memref<256x128xf32, #tpu.memory_space<hbm>>
    %dma_start3A_155 = arith.constant 0 : i32
    %dma_start3A_156 = arith.constant 0 : i32
    %dma_start3A_157 = tpu.memref_slice %arg8[%dma_start3A_147, %dma_start3A_155, %dma_start3A_156] : memref<3x256x128xf32, #tpu.memory_space<vmem>> -> memref<1x256x128xf32, #tpu.memory_space<vmem>>
    %dma_start3A_158 = tpu.memref_squeeze %dma_start3A_157 : memref<1x256x128xf32, #tpu.memory_space<vmem>> -> memref<256x128xf32, #tpu.memory_space<vmem>>
    %dma_start3A_159 = arith.constant 0 : i32
    %dma_start3A_160 = tpu.memref_slice %arg2[%reduce_max3A_109, %add3A_146, %dma_start3A_159] : memref<64x4096x128xf32, #tpu.memory_space<hbm>> -> memref<1x256x128xf32, #tpu.memory_space<hbm>>
    %dma_start3A_161 = tpu.memref_squeeze %dma_start3A_160 : memref<1x256x128xf32, #tpu.memory_space<hbm>> -> memref<256x128xf32, #tpu.memory_space<hbm>>
    tpu.enqueue_dma source(%dma_start3A_161 : memref<256x128xf32, #tpu.memory_space<hbm>>) target(%dma_start3A_158 : memref<256x128xf32, #tpu.memory_space<vmem>>) target_semaphore(%arg9 : memref<!tpu.dma_semaphore, #tpu.memory_space<semaphore_mem>>)
    %dma_wait3A = arith.constant 0 : i32
    %dma_wait3A_162 = arith.constant 0 : i32
    %dma_wait3A_163 = arith.constant 0 : i32
    %dma_wait3A_164 = tpu.memref_slice %arg8[%dma_wait3A, %dma_wait3A_162, %dma_wait3A_163] : memref<3x256x128xf32, #tpu.memory_space<vmem>> -> memref<1x256x128xf32, #tpu.memory_space<vmem>>
    %dma_wait3A_165 = tpu.memref_squeeze %dma_wait3A_164 : memref<1x256x128xf32, #tpu.memory_space<vmem>> -> memref<256x128xf32, #tpu.memory_space<vmem>>
    %dma_wait3A_166 = arith.constant 0 : i32
    %dma_wait3A_167 = tpu.memref_slice %arg2[%reduce_max3A_109, %add3A_113, %dma_wait3A_166] : memref<64x4096x128xf32, #tpu.memory_space<hbm>> -> memref<1x256x128xf32, #tpu.memory_space<hbm>>
    %dma_wait3A_168 = tpu.memref_squeeze %dma_wait3A_167 : memref<1x256x128xf32, #tpu.memory_space<hbm>> -> memref<256x128xf32, #tpu.memory_space<hbm>>
    %dma_wait3A_169 = arith.constant 0 : i32
    %dma_wait3A_170 = arith.constant 0 : i32
    %dma_wait3A_171 = tpu.memref_slice %arg8[%dma_wait3A, %dma_wait3A_169, %dma_wait3A_170] : memref<3x256x128xf32, #tpu.memory_space<vmem>> -> memref<1x256x128xf32, #tpu.memory_space<vmem>>
    %dma_wait3A_172 = tpu.memref_squeeze %dma_wait3A_171 : memref<1x256x128xf32, #tpu.memory_space<vmem>> -> memref<256x128xf32, #tpu.memory_space<vmem>>
    %dma_wait3A_173 = arith.constant 0 : i32
    %dma_wait3A_174 = tpu.memref_slice %arg2[%reduce_max3A_109, %add3A_113, %dma_wait3A_173] : memref<64x4096x128xf32, #tpu.memory_space<hbm>> -> memref<1x256x128xf32, #tpu.memory_space<hbm>>
    %dma_wait3A_175 = tpu.memref_squeeze %dma_wait3A_174 : memref<1x256x128xf32, #tpu.memory_space<hbm>> -> memref<256x128xf32, #tpu.memory_space<hbm>>
    tpu.wait_dma2 semaphore(%arg9 : memref<!tpu.dma_semaphore, #tpu.memory_space<semaphore_mem>>) src(%dma_wait3A_175 : memref<256x128xf32, #tpu.memory_space<hbm>>) dst(%dma_wait3A_172 : memref<256x128xf32, #tpu.memory_space<vmem>>)
    %add3A_176 = arith.constant 0 : i32
    %add3A_177 = arith.addi %mul3A_111, %add3A_176 : i32
    %dma_start3A_178 = arith.constant 0 : i32
    %dma_start3A_179 = arith.constant 0 : i32
    %dma_start3A_180 = arith.constant 0 : i32
    %dma_start3A_181 = tpu.memref_slice %arg8[%dma_start3A_178, %dma_start3A_179, %dma_start3A_180] : memref<3x256x128xf32, #tpu.memory_space<vmem>> -> memref<1x256x128xf32, #tpu.memory_space<vmem>>
    %dma_start3A_182 = tpu.memref_squeeze %dma_start3A_181 : memref<1x256x128xf32, #tpu.memory_space<vmem>> -> memref<256x128xf32, #tpu.memory_space<vmem>>
    %dma_start3A_183 = arith.constant 0 : i32
    %dma_start3A_184 = tpu.memref_slice %arg5[%div3A_98, %add3A_177, %dma_start3A_183] : memref<16x4096x128xf32, #tpu.memory_space<hbm>> -> memref<1x256x128xf32, #tpu.memory_space<hbm>>
    %dma_start3A_185 = tpu.memref_squeeze %dma_start3A_184 : memref<1x256x128xf32, #tpu.memory_space<hbm>> -> memref<256x128xf32, #tpu.memory_space<hbm>>
    %dma_start3A_186 = arith.constant 0 : i32
    %dma_start3A_187 = tpu.memref_slice %arg5[%div3A_98, %add3A_177, %dma_start3A_186] : memref<16x4096x128xf32, #tpu.memory_space<hbm>> -> memref<1x256x128xf32, #tpu.memory_space<hbm>>
    %dma_start3A_188 = tpu.memref_squeeze %dma_start3A_187 : memref<1x256x128xf32, #tpu.memory_space<hbm>> -> memref<256x128xf32, #tpu.memory_space<hbm>>
    %dma_start3A_189 = arith.constant 0 : i32
    %dma_start3A_190 = arith.constant 0 : i32
    %dma_start3A_191 = tpu.memref_slice %arg8[%dma_start3A_178, %dma_start3A_189, %dma_start3A_190] : memref<3x256x128xf32, #tpu.memory_space<vmem>> -> memref<1x256x128xf32, #tpu.memory_space<vmem>>
    %dma_start3A_192 = tpu.memref_squeeze %dma_start3A_191 : memref<1x256x128xf32, #tpu.memory_space<vmem>> -> memref<256x128xf32, #tpu.memory_space<vmem>>
    tpu.enqueue_dma source(%dma_start3A_192 : memref<256x128xf32, #tpu.memory_space<vmem>>) target(%dma_start3A_188 : memref<256x128xf32, #tpu.memory_space<hbm>>) target_semaphore(%arg10 : memref<!tpu.dma_semaphore, #tpu.memory_space<semaphore_mem>>)
    %dma_wait3A_193 = arith.constant 0 : i32
    %dma_wait3A_194 = arith.constant 0 : i32
    %dma_wait3A_195 = arith.constant 0 : i32
    %dma_wait3A_196 = tpu.memref_slice %arg8[%dma_wait3A_193, %dma_wait3A_194, %dma_wait3A_195] : memref<3x256x128xf32, #tpu.memory_space<vmem>> -> memref<1x256x128xf32, #tpu.memory_space<vmem>>
    %dma_wait3A_197 = tpu.memref_squeeze %dma_wait3A_196 : memref<1x256x128xf32, #tpu.memory_space<vmem>> -> memref<256x128xf32, #tpu.memory_space<vmem>>
    %dma_wait3A_198 = arith.constant 0 : i32
    %dma_wait3A_199 = tpu.memref_slice %arg5[%div3A_98, %add3A_177, %dma_wait3A_198] : memref<16x4096x128xf32, #tpu.memory_space<hbm>> -> memref<1x256x128xf32, #tpu.memory_space<hbm>>
    %dma_wait3A_200 = tpu.memref_squeeze %dma_wait3A_199 : memref<1x256x128xf32, #tpu.memory_space<hbm>> -> memref<256x128xf32, #tpu.memory_space<hbm>>
    %dma_wait3A_201 = arith.constant 0 : i32
    %dma_wait3A_202 = tpu.memref_slice %arg5[%div3A_98, %add3A_177, %dma_wait3A_201] : memref<16x4096x128xf32, #tpu.memory_space<hbm>> -> memref<1x256x128xf32, #tpu.memory_space<hbm>>
    %dma_wait3A_203 = tpu.memref_squeeze %dma_wait3A_202 : memref<1x256x128xf32, #tpu.memory_space<hbm>> -> memref<256x128xf32, #tpu.memory_space<hbm>>
    %dma_wait3A_204 = arith.constant 0 : i32
    %dma_wait3A_205 = arith.constant 0 : i32
    %dma_wait3A_206 = tpu.memref_slice %arg8[%dma_wait3A_193, %dma_wait3A_204, %dma_wait3A_205] : memref<3x256x128xf32, #tpu.memory_space<vmem>> -> memref<1x256x128xf32, #tpu.memory_space<vmem>>
    %dma_wait3A_207 = tpu.memref_squeeze %dma_wait3A_206 : memref<1x256x128xf32, #tpu.memory_space<vmem>> -> memref<256x128xf32, #tpu.memory_space<vmem>>
    tpu.wait_dma2 semaphore(%arg10 : memref<!tpu.dma_semaphore, #tpu.memory_space<semaphore_mem>>) src(%dma_wait3A_207 : memref<256x128xf32, #tpu.memory_space<vmem>>) dst(%dma_wait3A_203 : memref<256x128xf32, #tpu.memory_space<hbm>>)
    %add3A_208 = arith.constant 768 : i32
    %add3A_209 = arith.addi %mul3A_111, %add3A_208 : i32
    %dma_start3A_210 = arith.constant 0 : i32
    %dma_start3A_211 = arith.constant 0 : i32
    %dma_start3A_212 = arith.constant 0 : i32
    %dma_start3A_213 = tpu.memref_slice %arg8[%dma_start3A_210, %dma_start3A_211, %dma_start3A_212] : memref<3x256x128xf32, #tpu.memory_space<vmem>> -> memref<1x256x128xf32, #tpu.memory_space<vmem>>
    %dma_start3A_214 = tpu.memref_squeeze %dma_start3A_213 : memref<1x256x128xf32, #tpu.memory_space<vmem>> -> memref<256x128xf32, #tpu.memory_space<vmem>>
    %dma_start3A_215 = arith.constant 0 : i32
    %dma_start3A_216 = tpu.memref_slice %arg2[%reduce_max3A_109, %add3A_209, %dma_start3A_215] : memref<64x4096x128xf32, #tpu.memory_space<hbm>> -> memref<1x256x128xf32, #tpu.memory_space<hbm>>
    %dma_start3A_217 = tpu.memref_squeeze %dma_start3A_216 : memref<1x256x128xf32, #tpu.memory_space<hbm>> -> memref<256x128xf32, #tpu.memory_space<hbm>>
    %dma_start3A_218 = arith.constant 0 : i32
    %dma_start3A_219 = arith.constant 0 : i32
    %dma_start3A_220 = tpu.memref_slice %arg8[%dma_start3A_210, %dma_start3A_218, %dma_start3A_219] : memref<3x256x128xf32, #tpu.memory_space<vmem>> -> memref<1x256x128xf32, #tpu.memory_space<vmem>>
    %dma_start3A_221 = tpu.memref_squeeze %dma_start3A_220 : memref<1x256x128xf32, #tpu.memory_space<vmem>> -> memref<256x128xf32, #tpu.memory_space<vmem>>
    %dma_start3A_222 = arith.constant 0 : i32
    %dma_start3A_223 = tpu.memref_slice %arg2[%reduce_max3A_109, %add3A_209, %dma_start3A_222] : memref<64x4096x128xf32, #tpu.memory_space<hbm>> -> memref<1x256x128xf32, #tpu.memory_space<hbm>>
    %dma_start3A_224 = tpu.memref_squeeze %dma_start3A_223 : memref<1x256x128xf32, #tpu.memory_space<hbm>> -> memref<256x128xf32, #tpu.memory_space<hbm>>
    tpu.enqueue_dma source(%dma_start3A_224 : memref<256x128xf32, #tpu.memory_space<hbm>>) target(%dma_start3A_221 : memref<256x128xf32, #tpu.memory_space<vmem>>) target_semaphore(%arg9 : memref<!tpu.dma_semaphore, #tpu.memory_space<semaphore_mem>>)
    %dma_wait3A_225 = arith.constant 1 : i32
    %dma_wait3A_226 = arith.constant 0 : i32
    %dma_wait3A_227 = arith.constant 0 : i32
    %dma_wait3A_228 = tpu.memref_slice %arg8[%dma_wait3A_225, %dma_wait3A_226, %dma_wait3A_227] : memref<3x256x128xf32, #tpu.memory_space<vmem>> -> memref<1x256x128xf32, #tpu.memory_space<vmem>>
    %dma_wait3A_229 = tpu.memref_squeeze %dma_wait3A_228 : memref<1x256x128xf32, #tpu.memory_space<vmem>> -> memref<256x128xf32, #tpu.memory_space<vmem>>
    %dma_wait3A_230 = arith.constant 0 : i32
    %dma_wait3A_231 = tpu.memref_slice %arg2[%reduce_max3A_109, %add3A_129, %dma_wait3A_230] : memref<64x4096x128xf32, #tpu.memory_space<hbm>> -> memref<1x256x128xf32, #tpu.memory_space<hbm>>
    %dma_wait3A_232 = tpu.memref_squeeze %dma_wait3A_231 : memref<1x256x128xf32, #tpu.memory_space<hbm>> -> memref<256x128xf32, #tpu.memory_space<hbm>>
    %dma_wait3A_233 = arith.constant 0 : i32
    %dma_wait3A_234 = arith.constant 0 : i32
    %dma_wait3A_235 = tpu.memref_slice %arg8[%dma_wait3A_225, %dma_wait3A_233, %dma_wait3A_234] : memref<3x256x128xf32, #tpu.memory_space<vmem>> -> memref<1x256x128xf32, #tpu.memory_space<vmem>>
    %dma_wait3A_236 = tpu.memref_squeeze %dma_wait3A_235 : memref<1x256x128xf32, #tpu.memory_space<vmem>> -> memref<256x128xf32, #tpu.memory_space<vmem>>
    %dma_wait3A_237 = arith.constant 0 : i32
    %dma_wait3A_238 = tpu.memref_slice %arg2[%reduce_max3A_109, %add3A_129, %dma_wait3A_237] : memref<64x4096x128xf32, #tpu.memory_space<hbm>> -> memref<1x256x128xf32, #tpu.memory_space<hbm>>
    %dma_wait3A_239 = tpu.memref_squeeze %dma_wait3A_238 : memref<1x256x128xf32, #tpu.memory_space<hbm>> -> memref<256x128xf32, #tpu.memory_space<hbm>>
    tpu.wait_dma2 semaphore(%arg9 : memref<!tpu.dma_semaphore, #tpu.memory_space<semaphore_mem>>) src(%dma_wait3A_239 : memref<256x128xf32, #tpu.memory_space<hbm>>) dst(%dma_wait3A_236 : memref<256x128xf32, #tpu.memory_space<vmem>>)
    %add3A_240 = arith.constant 256 : i32
    %add3A_241 = arith.addi %mul3A_111, %add3A_240 : i32
    %dma_start3A_242 = arith.constant 1 : i32
    %dma_start3A_243 = arith.constant 0 : i32
    %dma_start3A_244 = arith.constant 0 : i32
    %dma_start3A_245 = tpu.memref_slice %arg8[%dma_start3A_242, %dma_start3A_243, %dma_start3A_244] : memref<3x256x128xf32, #tpu.memory_space<vmem>> -> memref<1x256x128xf32, #tpu.memory_space<vmem>>
    %dma_start3A_246 = tpu.memref_squeeze %dma_start3A_245 : memref<1x256x128xf32, #tpu.memory_space<vmem>> -> memref<256x128xf32, #tpu.memory_space<vmem>>
    %dma_start3A_247 = arith.constant 0 : i32
    %dma_start3A_248 = tpu.memref_slice %arg5[%div3A_98, %add3A_241, %dma_start3A_247] : memref<16x4096x128xf32, #tpu.memory_space<hbm>> -> memref<1x256x128xf32, #tpu.memory_space<hbm>>
    %dma_start3A_249 = tpu.memref_squeeze %dma_start3A_248 : memref<1x256x128xf32, #tpu.memory_space<hbm>> -> memref<256x128xf32, #tpu.memory_space<hbm>>
    %dma_start3A_250 = arith.constant 0 : i32
    %dma_start3A_251 = tpu.memref_slice %arg5[%div3A_98, %add3A_241, %dma_start3A_250] : memref<16x4096x128xf32, #tpu.memory_space<hbm>> -> memref<1x256x128xf32, #tpu.memory_space<hbm>>
    %dma_start3A_252 = tpu.memref_squeeze %dma_start3A_251 : memref<1x256x128xf32, #tpu.memory_space<hbm>> -> memref<256x128xf32, #tpu.memory_space<hbm>>
    %dma_start3A_253 = arith.constant 0 : i32
    %dma_start3A_254 = arith.constant 0 : i32
    %dma_start3A_255 = tpu.memref_slice %arg8[%dma_start3A_242, %dma_start3A_253, %dma_start3A_254] : memref<3x256x128xf32, #tpu.memory_space<vmem>> -> memref<1x256x128xf32, #tpu.memory_space<vmem>>
    %dma_start3A_256 = tpu.memref_squeeze %dma_start3A_255 : memref<1x256x128xf32, #tpu.memory_space<vmem>> -> memref<256x128xf32, #tpu.memory_space<vmem>>
    tpu.enqueue_dma source(%dma_start3A_256 : memref<256x128xf32, #tpu.memory_space<vmem>>) target(%dma_start3A_252 : memref<256x128xf32, #tpu.memory_space<hbm>>) target_semaphore(%arg10 : memref<!tpu.dma_semaphore, #tpu.memory_space<semaphore_mem>>)
    %dma_wait3A_257 = arith.constant 1 : i32
    %dma_wait3A_258 = arith.constant 0 : i32
    %dma_wait3A_259 = arith.constant 0 : i32
    %dma_wait3A_260 = tpu.memref_slice %arg8[%dma_wait3A_257, %dma_wait3A_258, %dma_wait3A_259] : memref<3x256x128xf32, #tpu.memory_space<vmem>> -> memref<1x256x128xf32, #tpu.memory_space<vmem>>
    %dma_wait3A_261 = tpu.memref_squeeze %dma_wait3A_260 : memref<1x256x128xf32, #tpu.memory_space<vmem>> -> memref<256x128xf32, #tpu.memory_space<vmem>>
    %dma_wait3A_262 = arith.constant 0 : i32
    %dma_wait3A_263 = tpu.memref_slice %arg5[%div3A_98, %add3A_241, %dma_wait3A_262] : memref<16x4096x128xf32, #tpu.memory_space<hbm>> -> memref<1x256x128xf32, #tpu.memory_space<hbm>>
    %dma_wait3A_264 = tpu.memref_squeeze %dma_wait3A_263 : memref<1x256x128xf32, #tpu.memory_space<hbm>> -> memref<256x128xf32, #tpu.memory_space<hbm>>
    %dma_wait3A_265 = arith.constant 0 : i32
    %dma_wait3A_266 = tpu.memref_slice %arg5[%div3A_98, %add3A_241, %dma_wait3A_265] : memref<16x4096x128xf32, #tpu.memory_space<hbm>> -> memref<1x256x128xf32, #tpu.memory_space<hbm>>
    %dma_wait3A_267 = tpu.memref_squeeze %dma_wait3A_266 : memref<1x256x128xf32, #tpu.memory_space<hbm>> -> memref<256x128xf32, #tpu.memory_space<hbm>>
    %dma_wait3A_268 = arith.constant 0 : i32
    %dma_wait3A_269 = arith.constant 0 : i32
    %dma_wait3A_270 = tpu.memref_slice %arg8[%dma_wait3A_257, %dma_wait3A_268, %dma_wait3A_269] : memref<3x256x128xf32, #tpu.memory_space<vmem>> -> memref<1x256x128xf32, #tpu.memory_space<vmem>>
    %dma_wait3A_271 = tpu.memref_squeeze %dma_wait3A_270 : memref<1x256x128xf32, #tpu.memory_space<vmem>> -> memref<256x128xf32, #tpu.memory_space<vmem>>
    tpu.wait_dma2 semaphore(%arg10 : memref<!tpu.dma_semaphore, #tpu.memory_space<semaphore_mem>>) src(%dma_wait3A_271 : memref<256x128xf32, #tpu.memory_space<vmem>>) dst(%dma_wait3A_267 : memref<256x128xf32, #tpu.memory_space<hbm>>)
    %add3A_272 = arith.constant 1024 : i32
    %add3A_273 = arith.addi %mul3A_111, %add3A_272 : i32
    %dma_start3A_274 = arith.constant 1 : i32
    %dma_start3A_275 = arith.constant 0 : i32
    %dma_start3A_276 = arith.constant 0 : i32
    %dma_start3A_277 = tpu.memref_slice %arg8[%dma_start3A_274, %dma_start3A_275, %dma_start3A_276] : memref<3x256x128xf32, #tpu.memory_space<vmem>> -> memref<1x256x128xf32, #tpu.memory_space<vmem>>
    %dma_start3A_278 = tpu.memref_squeeze %dma_start3A_277 : memref<1x256x128xf32, #tpu.memory_space<vmem>> -> memref<256x128xf32, #tpu.memory_space<vmem>>
    %dma_start3A_279 = arith.constant 0 : i32
    %dma_start3A_280 = tpu.memref_slice %arg2[%reduce_max3A_109, %add3A_273, %dma_start3A_279] : memref<64x4096x128xf32, #tpu.memory_space<hbm>> -> memref<1x256x128xf32, #tpu.memory_space<hbm>>
    %dma_start3A_281 = tpu.memref_squeeze %dma_start3A_280 : memref<1x256x128xf32, #tpu.memory_space<hbm>> -> memref<256x128xf32, #tpu.memory_space<hbm>>
    %dma_start3A_282 = arith.constant 0 : i32
    %dma_start3A_283 = arith.constant 0 : i32
    %dma_start3A_284 = tpu.memref_slice %arg8[%dma_start3A_274, %dma_start3A_282, %dma_start3A_283] : memref<3x256x128xf32, #tpu.memory_space<vmem>> -> memref<1x256x128xf32, #tpu.memory_space<vmem>>
    %dma_start3A_285 = tpu.memref_squeeze %dma_start3A_284 : memref<1x256x128xf32, #tpu.memory_space<vmem>> -> memref<256x128xf32, #tpu.memory_space<vmem>>
    %dma_start3A_286 = arith.constant 0 : i32
    %dma_start3A_287 = tpu.memref_slice %arg2[%reduce_max3A_109, %add3A_273, %dma_start3A_286] : memref<64x4096x128xf32, #tpu.memory_space<hbm>> -> memref<1x256x128xf32, #tpu.memory_space<hbm>>
    %dma_start3A_288 = tpu.memref_squeeze %dma_start3A_287 : memref<1x256x128xf32, #tpu.memory_space<hbm>> -> memref<256x128xf32, #tpu.memory_space<hbm>>
    tpu.enqueue_dma source(%dma_start3A_288 : memref<256x128xf32, #tpu.memory_space<hbm>>) target(%dma_start3A_285 : memref<256x128xf32, #tpu.memory_space<vmem>>) target_semaphore(%arg9 : memref<!tpu.dma_semaphore, #tpu.memory_space<semaphore_mem>>)
    %dma_wait3A_289 = arith.constant 2 : i32
    %dma_wait3A_290 = arith.constant 0 : i32
    %dma_wait3A_291 = arith.constant 0 : i32
    %dma_wait3A_292 = tpu.memref_slice %arg8[%dma_wait3A_289, %dma_wait3A_290, %dma_wait3A_291] : memref<3x256x128xf32, #tpu.memory_space<vmem>> -> memref<1x256x128xf32, #tpu.memory_space<vmem>>
    %dma_wait3A_293 = tpu.memref_squeeze %dma_wait3A_292 : memref<1x256x128xf32, #tpu.memory_space<vmem>> -> memref<256x128xf32, #tpu.memory_space<vmem>>
    %dma_wait3A_294 = arith.constant 0 : i32
    %dma_wait3A_295 = tpu.memref_slice %arg2[%reduce_max3A_109, %add3A_146, %dma_wait3A_294] : memref<64x4096x128xf32, #tpu.memory_space<hbm>> -> memref<1x256x128xf32, #tpu.memory_space<hbm>>
    %dma_wait3A_296 = tpu.memref_squeeze %dma_wait3A_295 : memref<1x256x128xf32, #tpu.memory_space<hbm>> -> memref<256x128xf32, #tpu.memory_space<hbm>>
    %dma_wait3A_297 = arith.constant 0 : i32
    %dma_wait3A_298 = arith.constant 0 : i32
    %dma_wait3A_299 = tpu.memref_slice %arg8[%dma_wait3A_289, %dma_wait3A_297, %dma_wait3A_298] : memref<3x256x128xf32, #tpu.memory_space<vmem>> -> memref<1x256x128xf32, #tpu.memory_space<vmem>>
    %dma_wait3A_300 = tpu.memref_squeeze %dma_wait3A_299 : memref<1x256x128xf32, #tpu.memory_space<vmem>> -> memref<256x128xf32, #tpu.memory_space<vmem>>
    %dma_wait3A_301 = arith.constant 0 : i32
    %dma_wait3A_302 = tpu.memref_slice %arg2[%reduce_max3A_109, %add3A_146, %dma_wait3A_301] : memref<64x4096x128xf32, #tpu.memory_space<hbm>> -> memref<1x256x128xf32, #tpu.memory_space<hbm>>
    %dma_wait3A_303 = tpu.memref_squeeze %dma_wait3A_302 : memref<1x256x128xf32, #tpu.memory_space<hbm>> -> memref<256x128xf32, #tpu.memory_space<hbm>>
    tpu.wait_dma2 semaphore(%arg9 : memref<!tpu.dma_semaphore, #tpu.memory_space<semaphore_mem>>) src(%dma_wait3A_303 : memref<256x128xf32, #tpu.memory_space<hbm>>) dst(%dma_wait3A_300 : memref<256x128xf32, #tpu.memory_space<vmem>>)
    %add3A_304 = arith.constant 512 : i32
    %add3A_305 = arith.addi %mul3A_111, %add3A_304 : i32
    %dma_start3A_306 = arith.constant 2 : i32
    %dma_start3A_307 = arith.constant 0 : i32
    %dma_start3A_308 = arith.constant 0 : i32
    %dma_start3A_309 = tpu.memref_slice %arg8[%dma_start3A_306, %dma_start3A_307, %dma_start3A_308] : memref<3x256x128xf32, #tpu.memory_space<vmem>> -> memref<1x256x128xf32, #tpu.memory_space<vmem>>
    %dma_start3A_310 = tpu.memref_squeeze %dma_start3A_309 : memref<1x256x128xf32, #tpu.memory_space<vmem>> -> memref<256x128xf32, #tpu.memory_space<vmem>>
    %dma_start3A_311 = arith.constant 0 : i32
    %dma_start3A_312 = tpu.memref_slice %arg5[%div3A_98, %add3A_305, %dma_start3A_311] : memref<16x4096x128xf32, #tpu.memory_space<hbm>> -> memref<1x256x128xf32, #tpu.memory_space<hbm>>
    %dma_start3A_313 = tpu.memref_squeeze %dma_start3A_312 : memref<1x256x128xf32, #tpu.memory_space<hbm>> -> memref<256x128xf32, #tpu.memory_space<hbm>>
    %dma_start3A_314 = arith.constant 0 : i32
    %dma_start3A_315 = tpu.memref_slice %arg5[%div3A_98, %add3A_305, %dma_start3A_314] : memref<16x4096x128xf32, #tpu.memory_space<hbm>> -> memref<1x256x128xf32, #tpu.memory_space<hbm>>
    %dma_start3A_316 = tpu.memref_squeeze %dma_start3A_315 : memref<1x256x128xf32, #tpu.memory_space<hbm>> -> memref<256x128xf32, #tpu.memory_space<hbm>>
    %dma_start3A_317 = arith.constant 0 : i32
    %dma_start3A_318 = arith.constant 0 : i32
    %dma_start3A_319 = tpu.memref_slice %arg8[%dma_start3A_306, %dma_start3A_317, %dma_start3A_318] : memref<3x256x128xf32, #tpu.memory_space<vmem>> -> memref<1x256x128xf32, #tpu.memory_space<vmem>>
    %dma_start3A_320 = tpu.memref_squeeze %dma_start3A_319 : memref<1x256x128xf32, #tpu.memory_space<vmem>> -> memref<256x128xf32, #tpu.memory_space<vmem>>
    tpu.enqueue_dma source(%dma_start3A_320 : memref<256x128xf32, #tpu.memory_space<vmem>>) target(%dma_start3A_316 : memref<256x128xf32, #tpu.memory_space<hbm>>) target_semaphore(%arg10 : memref<!tpu.dma_semaphore, #tpu.memory_space<semaphore_mem>>)
    %dma_wait3A_321 = arith.constant 2 : i32
    %dma_wait3A_322 = arith.constant 0 : i32
    %dma_wait3A_323 = arith.constant 0 : i32
    %dma_wait3A_324 = tpu.memref_slice %arg8[%dma_wait3A_321, %dma_wait3A_322, %dma_wait3A_323] : memref<3x256x128xf32, #tpu.memory_space<vmem>> -> memref<1x256x128xf32, #tpu.memory_space<vmem>>
    %dma_wait3A_325 = tpu.memref_squeeze %dma_wait3A_324 : memref<1x256x128xf32, #tpu.memory_space<vmem>> -> memref<256x128xf32, #tpu.memory_space<vmem>>
    %dma_wait3A_326 = arith.constant 0 : i32
    %dma_wait3A_327 = tpu.memref_slice %arg5[%div3A_98, %add3A_305, %dma_wait3A_326] : memref<16x4096x128xf32, #tpu.memory_space<hbm>> -> memref<1x256x128xf32, #tpu.memory_space<hbm>>
    %dma_wait3A_328 = tpu.memref_squeeze %dma_wait3A_327 : memref<1x256x128xf32, #tpu.memory_space<hbm>> -> memref<256x128xf32, #tpu.memory_space<hbm>>
    %dma_wait3A_329 = arith.constant 0 : i32
    %dma_wait3A_330 = tpu.memref_slice %arg5[%div3A_98, %add3A_305, %dma_wait3A_329] : memref<16x4096x128xf32, #tpu.memory_space<hbm>> -> memref<1x256x128xf32, #tpu.memory_space<hbm>>
    %dma_wait3A_331 = tpu.memref_squeeze %dma_wait3A_330 : memref<1x256x128xf32, #tpu.memory_space<hbm>> -> memref<256x128xf32, #tpu.memory_space<hbm>>
    %dma_wait3A_332 = arith.constant 0 : i32
    %dma_wait3A_333 = arith.constant 0 : i32
    %dma_wait3A_334 = tpu.memref_slice %arg8[%dma_wait3A_321, %dma_wait3A_332, %dma_wait3A_333] : memref<3x256x128xf32, #tpu.memory_space<vmem>> -> memref<1x256x128xf32, #tpu.memory_space<vmem>>
    %dma_wait3A_335 = tpu.memref_squeeze %dma_wait3A_334 : memref<1x256x128xf32, #tpu.memory_space<vmem>> -> memref<256x128xf32, #tpu.memory_space<vmem>>
    tpu.wait_dma2 semaphore(%arg10 : memref<!tpu.dma_semaphore, #tpu.memory_space<semaphore_mem>>) src(%dma_wait3A_335 : memref<256x128xf32, #tpu.memory_space<vmem>>) dst(%dma_wait3A_331 : memref<256x128xf32, #tpu.memory_space<hbm>>)
    %add3A_336 = arith.constant 1280 : i32
    %add3A_337 = arith.addi %mul3A_111, %add3A_336 : i32
    %dma_start3A_338 = arith.constant 2 : i32
    %dma_start3A_339 = arith.constant 0 : i32
    %dma_start3A_340 = arith.constant 0 : i32
    %dma_start3A_341 = tpu.memref_slice %arg8[%dma_start3A_338, %dma_start3A_339, %dma_start3A_340] : memref<3x256x128xf32, #tpu.memory_space<vmem>> -> memref<1x256x128xf32, #tpu.memory_space<vmem>>
    %dma_start3A_342 = tpu.memref_squeeze %dma_start3A_341 : memref<1x256x128xf32, #tpu.memory_space<vmem>> -> memref<256x128xf32, #tpu.memory_space<vmem>>
    %dma_start3A_343 = arith.constant 0 : i32
    %dma_start3A_344 = tpu.memref_slice %arg2[%reduce_max3A_109, %add3A_337, %dma_start3A_343] : memref<64x4096x128xf32, #tpu.memory_space<hbm>> -> memref<1x256x128xf32, #tpu.memory_space<hbm>>
    %dma_start3A_345 = tpu.memref_squeeze %dma_start3A_344 : memref<1x256x128xf32, #tpu.memory_space<hbm>> -> memref<256x128xf32, #tpu.memory_space<hbm>>
    %dma_start3A_346 = arith.constant 0 : i32
    %dma_start3A_347 = arith.constant 0 : i32
    %dma_start3A_348 = tpu.memref_slice %arg8[%dma_start3A_338, %dma_start3A_346, %dma_start3A_347] : memref<3x256x128xf32, #tpu.memory_space<vmem>> -> memref<1x256x128xf32, #tpu.memory_space<vmem>>
    %dma_start3A_349 = tpu.memref_squeeze %dma_start3A_348 : memref<1x256x128xf32, #tpu.memory_space<vmem>> -> memref<256x128xf32, #tpu.memory_space<vmem>>
    %dma_start3A_350 = arith.constant 0 : i32
    %dma_start3A_351 = tpu.memref_slice %arg2[%reduce_max3A_109, %add3A_337, %dma_start3A_350] : memref<64x4096x128xf32, #tpu.memory_space<hbm>> -> memref<1x256x128xf32, #tpu.memory_space<hbm>>
    %dma_start3A_352 = tpu.memref_squeeze %dma_start3A_351 : memref<1x256x128xf32, #tpu.memory_space<hbm>> -> memref<256x128xf32, #tpu.memory_space<hbm>>
    tpu.enqueue_dma source(%dma_start3A_352 : memref<256x128xf32, #tpu.memory_space<hbm>>) target(%dma_start3A_349 : memref<256x128xf32, #tpu.memory_space<vmem>>) target_semaphore(%arg9 : memref<!tpu.dma_semaphore, #tpu.memory_space<semaphore_mem>>)
    %dma_wait3A_353 = arith.constant 0 : i32
    %dma_wait3A_354 = arith.constant 0 : i32
    %dma_wait3A_355 = arith.constant 0 : i32
    %dma_wait3A_356 = tpu.memref_slice %arg8[%dma_wait3A_353, %dma_wait3A_354, %dma_wait3A_355] : memref<3x256x128xf32, #tpu.memory_space<vmem>> -> memref<1x256x128xf32, #tpu.memory_space<vmem>>
    %dma_wait3A_357 = tpu.memref_squeeze %dma_wait3A_356 : memref<1x256x128xf32, #tpu.memory_space<vmem>> -> memref<256x128xf32, #tpu.memory_space<vmem>>
    %dma_wait3A_358 = arith.constant 0 : i32
    %dma_wait3A_359 = tpu.memref_slice %arg2[%reduce_max3A_109, %add3A_209, %dma_wait3A_358] : memref<64x4096x128xf32, #tpu.memory_space<hbm>> -> memref<1x256x128xf32, #tpu.memory_space<hbm>>
    %dma_wait3A_360 = tpu.memref_squeeze %dma_wait3A_359 : memref<1x256x128xf32, #tpu.memory_space<hbm>> -> memref<256x128xf32, #tpu.memory_space<hbm>>
    %dma_wait3A_361 = arith.constant 0 : i32
    %dma_wait3A_362 = arith.constant 0 : i32
    %dma_wait3A_363 = tpu.memref_slice %arg8[%dma_wait3A_353, %dma_wait3A_361, %dma_wait3A_362] : memref<3x256x128xf32, #tpu.memory_space<vmem>> -> memref<1x256x128xf32, #tpu.memory_space<vmem>>
    %dma_wait3A_364 = tpu.memref_squeeze %dma_wait3A_363 : memref<1x256x128xf32, #tpu.memory_space<vmem>> -> memref<256x128xf32, #tpu.memory_space<vmem>>
    %dma_wait3A_365 = arith.constant 0 : i32
    %dma_wait3A_366 = tpu.memref_slice %arg2[%reduce_max3A_109, %add3A_209, %dma_wait3A_365] : memref<64x4096x128xf32, #tpu.memory_space<hbm>> -> memref<1x256x128xf32, #tpu.memory_space<hbm>>
    %dma_wait3A_367 = tpu.memref_squeeze %dma_wait3A_366 : memref<1x256x128xf32, #tpu.memory_space<hbm>> -> memref<256x128xf32, #tpu.memory_space<hbm>>
    tpu.wait_dma2 semaphore(%arg9 : memref<!tpu.dma_semaphore, #tpu.memory_space<semaphore_mem>>) src(%dma_wait3A_367 : memref<256x128xf32, #tpu.memory_space<hbm>>) dst(%dma_wait3A_364 : memref<256x128xf32, #tpu.memory_space<vmem>>)
    %add3A_368 = arith.constant 768 : i32
    %add3A_369 = arith.addi %mul3A_111, %add3A_368 : i32
    %dma_start3A_370 = arith.constant 0 : i32
    %dma_start3A_371 = arith.constant 0 : i32
    %dma_start3A_372 = arith.constant 0 : i32
    %dma_start3A_373 = tpu.memref_slice %arg8[%dma_start3A_370, %dma_start3A_371, %dma_start3A_372] : memref<3x256x128xf32, #tpu.memory_space<vmem>> -> memref<1x256x128xf32, #tpu.memory_space<vmem>>
    %dma_start3A_374 = tpu.memref_squeeze %dma_start3A_373 : memref<1x256x128xf32, #tpu.memory_space<vmem>> -> memref<256x128xf32, #tpu.memory_space<vmem>>
    %dma_start3A_375 = arith.constant 0 : i32
    %dma_start3A_376 = tpu.memref_slice %arg5[%div3A_98, %add3A_369, %dma_start3A_375] : memref<16x4096x128xf32, #tpu.memory_space<hbm>> -> memref<1x256x128xf32, #tpu.memory_space<hbm>>
    %dma_start3A_377 = tpu.memref_squeeze %dma_start3A_376 : memref<1x256x128xf32, #tpu.memory_space<hbm>> -> memref<256x128xf32, #tpu.memory_space<hbm>>
    %dma_start3A_378 = arith.constant 0 : i32
    %dma_start3A_379 = tpu.memref_slice %arg5[%div3A_98, %add3A_369, %dma_start3A_378] : memref<16x4096x128xf32, #tpu.memory_space<hbm>> -> memref<1x256x128xf32, #tpu.memory_space<hbm>>
    %dma_start3A_380 = tpu.memref_squeeze %dma_start3A_379 : memref<1x256x128xf32, #tpu.memory_space<hbm>> -> memref<256x128xf32, #tpu.memory_space<hbm>>
    %dma_start3A_381 = arith.constant 0 : i32
    %dma_start3A_382 = arith.constant 0 : i32
    %dma_start3A_383 = tpu.memref_slice %arg8[%dma_start3A_370, %dma_start3A_381, %dma_start3A_382] : memref<3x256x128xf32, #tpu.memory_space<vmem>> -> memref<1x256x128xf32, #tpu.memory_space<vmem>>
    %dma_start3A_384 = tpu.memref_squeeze %dma_start3A_383 : memref<1x256x128xf32, #tpu.memory_space<vmem>> -> memref<256x128xf32, #tpu.memory_space<vmem>>
    tpu.enqueue_dma source(%dma_start3A_384 : memref<256x128xf32, #tpu.memory_space<vmem>>) target(%dma_start3A_380 : memref<256x128xf32, #tpu.memory_space<hbm>>) target_semaphore(%arg10 : memref<!tpu.dma_semaphore, #tpu.memory_space<semaphore_mem>>)
    %dma_wait3A_385 = arith.constant 0 : i32
    %dma_wait3A_386 = arith.constant 0 : i32
    %dma_wait3A_387 = arith.constant 0 : i32
    %dma_wait3A_388 = tpu.memref_slice %arg8[%dma_wait3A_385, %dma_wait3A_386, %dma_wait3A_387] : memref<3x256x128xf32, #tpu.memory_space<vmem>> -> memref<1x256x128xf32, #tpu.memory_space<vmem>>
    %dma_wait3A_389 = tpu.memref_squeeze %dma_wait3A_388 : memref<1x256x128xf32, #tpu.memory_space<vmem>> -> memref<256x128xf32, #tpu.memory_space<vmem>>
    %dma_wait3A_390 = arith.constant 0 : i32
    %dma_wait3A_391 = tpu.memref_slice %arg5[%div3A_98, %add3A_369, %dma_wait3A_390] : memref<16x4096x128xf32, #tpu.memory_space<hbm>> -> memref<1x256x128xf32, #tpu.memory_space<hbm>>
    %dma_wait3A_392 = tpu.memref_squeeze %dma_wait3A_391 : memref<1x256x128xf32, #tpu.memory_space<hbm>> -> memref<256x128xf32, #tpu.memory_space<hbm>>
    %dma_wait3A_393 = arith.constant 0 : i32
    %dma_wait3A_394 = tpu.memref_slice %arg5[%div3A_98, %add3A_369, %dma_wait3A_393] : memref<16x4096x128xf32, #tpu.memory_space<hbm>> -> memref<1x256x128xf32, #tpu.memory_space<hbm>>
    %dma_wait3A_395 = tpu.memref_squeeze %dma_wait3A_394 : memref<1x256x128xf32, #tpu.memory_space<hbm>> -> memref<256x128xf32, #tpu.memory_space<hbm>>
    %dma_wait3A_396 = arith.constant 0 : i32
    %dma_wait3A_397 = arith.constant 0 : i32
    %dma_wait3A_398 = tpu.memref_slice %arg8[%dma_wait3A_385, %dma_wait3A_396, %dma_wait3A_397] : memref<3x256x128xf32, #tpu.memory_space<vmem>> -> memref<1x256x128xf32, #tpu.memory_space<vmem>>
    %dma_wait3A_399 = tpu.memref_squeeze %dma_wait3A_398 : memref<1x256x128xf32, #tpu.memory_space<vmem>> -> memref<256x128xf32, #tpu.memory_space<vmem>>
    tpu.wait_dma2 semaphore(%arg10 : memref<!tpu.dma_semaphore, #tpu.memory_space<semaphore_mem>>) src(%dma_wait3A_399 : memref<256x128xf32, #tpu.memory_space<vmem>>) dst(%dma_wait3A_395 : memref<256x128xf32, #tpu.memory_space<hbm>>)
    %add3A_400 = arith.constant 1536 : i32
    %add3A_401 = arith.addi %mul3A_111, %add3A_400 : i32
    %dma_start3A_402 = arith.constant 0 : i32
    %dma_start3A_403 = arith.constant 0 : i32
    %dma_start3A_404 = arith.constant 0 : i32
    %dma_start3A_405 = tpu.memref_slice %arg8[%dma_start3A_402, %dma_start3A_403, %dma_start3A_404] : memref<3x256x128xf32, #tpu.memory_space<vmem>> -> memref<1x256x128xf32, #tpu.memory_space<vmem>>
    %dma_start3A_406 = tpu.memref_squeeze %dma_start3A_405 : memref<1x256x128xf32, #tpu.memory_space<vmem>> -> memref<256x128xf32, #tpu.memory_space<vmem>>
    %dma_start3A_407 = arith.constant 0 : i32
    %dma_start3A_408 = tpu.memref_slice %arg2[%reduce_max3A_109, %add3A_401, %dma_start3A_407] : memref<64x4096x128xf32, #tpu.memory_space<hbm>> -> memref<1x256x128xf32, #tpu.memory_space<hbm>>
    %dma_start3A_409 = tpu.memref_squeeze %dma_start3A_408 : memref<1x256x128xf32, #tpu.memory_space<hbm>> -> memref<256x128xf32, #tpu.memory_space<hbm>>
    %dma_start3A_410 = arith.constant 0 : i32
    %dma_start3A_411 = arith.constant 0 : i32
    %dma_start3A_412 = tpu.memref_slice %arg8[%dma_start3A_402, %dma_start3A_410, %dma_start3A_411] : memref<3x256x128xf32, #tpu.memory_space<vmem>> -> memref<1x256x128xf32, #tpu.memory_space<vmem>>
    %dma_start3A_413 = tpu.memref_squeeze %dma_start3A_412 : memref<1x256x128xf32, #tpu.memory_space<vmem>> -> memref<256x128xf32, #tpu.memory_space<vmem>>
    %dma_start3A_414 = arith.constant 0 : i32
    %dma_start3A_415 = tpu.memref_slice %arg2[%reduce_max3A_109, %add3A_401, %dma_start3A_414] : memref<64x4096x128xf32, #tpu.memory_space<hbm>> -> memref<1x256x128xf32, #tpu.memory_space<hbm>>
    %dma_start3A_416 = tpu.memref_squeeze %dma_start3A_415 : memref<1x256x128xf32, #tpu.memory_space<hbm>> -> memref<256x128xf32, #tpu.memory_space<hbm>>
    tpu.enqueue_dma source(%dma_start3A_416 : memref<256x128xf32, #tpu.memory_space<hbm>>) target(%dma_start3A_413 : memref<256x128xf32, #tpu.memory_space<vmem>>) target_semaphore(%arg9 : memref<!tpu.dma_semaphore, #tpu.memory_space<semaphore_mem>>)
    %dma_wait3A_417 = arith.constant 1 : i32
    %dma_wait3A_418 = arith.constant 0 : i32
    %dma_wait3A_419 = arith.constant 0 : i32
    %dma_wait3A_420 = tpu.memref_slice %arg8[%dma_wait3A_417, %dma_wait3A_418, %dma_wait3A_419] : memref<3x256x128xf32, #tpu.memory_space<vmem>> -> memref<1x256x128xf32, #tpu.memory_space<vmem>>
    %dma_wait3A_421 = tpu.memref_squeeze %dma_wait3A_420 : memref<1x256x128xf32, #tpu.memory_space<vmem>> -> memref<256x128xf32, #tpu.memory_space<vmem>>
    %dma_wait3A_422 = arith.constant 0 : i32
    %dma_wait3A_423 = tpu.memref_slice %arg2[%reduce_max3A_109, %add3A_273, %dma_wait3A_422] : memref<64x4096x128xf32, #tpu.memory_space<hbm>> -> memref<1x256x128xf32, #tpu.memory_space<hbm>>
    %dma_wait3A_424 = tpu.memref_squeeze %dma_wait3A_423 : memref<1x256x128xf32, #tpu.memory_space<hbm>> -> memref<256x128xf32, #tpu.memory_space<hbm>>
    %dma_wait3A_425 = arith.constant 0 : i32
    %dma_wait3A_426 = arith.constant 0 : i32
    %dma_wait3A_427 = tpu.memref_slice %arg8[%dma_wait3A_417, %dma_wait3A_425, %dma_wait3A_426] : memref<3x256x128xf32, #tpu.memory_space<vmem>> -> memref<1x256x128xf32, #tpu.memory_space<vmem>>
    %dma_wait3A_428 = tpu.memref_squeeze %dma_wait3A_427 : memref<1x256x128xf32, #tpu.memory_space<vmem>> -> memref<256x128xf32, #tpu.memory_space<vmem>>
    %dma_wait3A_429 = arith.constant 0 : i32
    %dma_wait3A_430 = tpu.memref_slice %arg2[%reduce_max3A_109, %add3A_273, %dma_wait3A_429] : memref<64x4096x128xf32, #tpu.memory_space<hbm>> -> memref<1x256x128xf32, #tpu.memory_space<hbm>>
    %dma_wait3A_431 = tpu.memref_squeeze %dma_wait3A_430 : memref<1x256x128xf32, #tpu.memory_space<hbm>> -> memref<256x128xf32, #tpu.memory_space<hbm>>
    tpu.wait_dma2 semaphore(%arg9 : memref<!tpu.dma_semaphore, #tpu.memory_space<semaphore_mem>>) src(%dma_wait3A_431 : memref<256x128xf32, #tpu.memory_space<hbm>>) dst(%dma_wait3A_428 : memref<256x128xf32, #tpu.memory_space<vmem>>)
    %add3A_432 = arith.constant 1024 : i32
    %add3A_433 = arith.addi %mul3A_111, %add3A_432 : i32
    %dma_start3A_434 = arith.constant 1 : i32
    %dma_start3A_435 = arith.constant 0 : i32
    %dma_start3A_436 = arith.constant 0 : i32
    %dma_start3A_437 = tpu.memref_slice %arg8[%dma_start3A_434, %dma_start3A_435, %dma_start3A_436] : memref<3x256x128xf32, #tpu.memory_space<vmem>> -> memref<1x256x128xf32, #tpu.memory_space<vmem>>
    %dma_start3A_438 = tpu.memref_squeeze %dma_start3A_437 : memref<1x256x128xf32, #tpu.memory_space<vmem>> -> memref<256x128xf32, #tpu.memory_space<vmem>>
    %dma_start3A_439 = arith.constant 0 : i32
    %dma_start3A_440 = tpu.memref_slice %arg5[%div3A_98, %add3A_433, %dma_start3A_439] : memref<16x4096x128xf32, #tpu.memory_space<hbm>> -> memref<1x256x128xf32, #tpu.memory_space<hbm>>
    %dma_start3A_441 = tpu.memref_squeeze %dma_start3A_440 : memref<1x256x128xf32, #tpu.memory_space<hbm>> -> memref<256x128xf32, #tpu.memory_space<hbm>>
    %dma_start3A_442 = arith.constant 0 : i32
    %dma_start3A_443 = tpu.memref_slice %arg5[%div3A_98, %add3A_433, %dma_start3A_442] : memref<16x4096x128xf32, #tpu.memory_space<hbm>> -> memref<1x256x128xf32, #tpu.memory_space<hbm>>
    %dma_start3A_444 = tpu.memref_squeeze %dma_start3A_443 : memref<1x256x128xf32, #tpu.memory_space<hbm>> -> memref<256x128xf32, #tpu.memory_space<hbm>>
    %dma_start3A_445 = arith.constant 0 : i32
    %dma_start3A_446 = arith.constant 0 : i32
    %dma_start3A_447 = tpu.memref_slice %arg8[%dma_start3A_434, %dma_start3A_445, %dma_start3A_446] : memref<3x256x128xf32, #tpu.memory_space<vmem>> -> memref<1x256x128xf32, #tpu.memory_space<vmem>>
    %dma_start3A_448 = tpu.memref_squeeze %dma_start3A_447 : memref<1x256x128xf32, #tpu.memory_space<vmem>> -> memref<256x128xf32, #tpu.memory_space<vmem>>
    tpu.enqueue_dma source(%dma_start3A_448 : memref<256x128xf32, #tpu.memory_space<vmem>>) target(%dma_start3A_444 : memref<256x128xf32, #tpu.memory_space<hbm>>) target_semaphore(%arg10 : memref<!tpu.dma_semaphore, #tpu.memory_space<semaphore_mem>>)
    %dma_wait3A_449 = arith.constant 1 : i32
    %dma_wait3A_450 = arith.constant 0 : i32
    %dma_wait3A_451 = arith.constant 0 : i32
    %dma_wait3A_452 = tpu.memref_slice %arg8[%dma_wait3A_449, %dma_wait3A_450, %dma_wait3A_451] : memref<3x256x128xf32, #tpu.memory_space<vmem>> -> memref<1x256x128xf32, #tpu.memory_space<vmem>>
    %dma_wait3A_453 = tpu.memref_squeeze %dma_wait3A_452 : memref<1x256x128xf32, #tpu.memory_space<vmem>> -> memref<256x128xf32, #tpu.memory_space<vmem>>
    %dma_wait3A_454 = arith.constant 0 : i32
    %dma_wait3A_455 = tpu.memref_slice %arg5[%div3A_98, %add3A_433, %dma_wait3A_454] : memref<16x4096x128xf32, #tpu.memory_space<hbm>> -> memref<1x256x128xf32, #tpu.memory_space<hbm>>
    %dma_wait3A_456 = tpu.memref_squeeze %dma_wait3A_455 : memref<1x256x128xf32, #tpu.memory_space<hbm>> -> memref<256x128xf32, #tpu.memory_space<hbm>>
    %dma_wait3A_457 = arith.constant 0 : i32
    %dma_wait3A_458 = tpu.memref_slice %arg5[%div3A_98, %add3A_433, %dma_wait3A_457] : memref<16x4096x128xf32, #tpu.memory_space<hbm>> -> memref<1x256x128xf32, #tpu.memory_space<hbm>>
    %dma_wait3A_459 = tpu.memref_squeeze %dma_wait3A_458 : memref<1x256x128xf32, #tpu.memory_space<hbm>> -> memref<256x128xf32, #tpu.memory_space<hbm>>
    %dma_wait3A_460 = arith.constant 0 : i32
    %dma_wait3A_461 = arith.constant 0 : i32
    %dma_wait3A_462 = tpu.memref_slice %arg8[%dma_wait3A_449, %dma_wait3A_460, %dma_wait3A_461] : memref<3x256x128xf32, #tpu.memory_space<vmem>> -> memref<1x256x128xf32, #tpu.memory_space<vmem>>
    %dma_wait3A_463 = tpu.memref_squeeze %dma_wait3A_462 : memref<1x256x128xf32, #tpu.memory_space<vmem>> -> memref<256x128xf32, #tpu.memory_space<vmem>>
    tpu.wait_dma2 semaphore(%arg10 : memref<!tpu.dma_semaphore, #tpu.memory_space<semaphore_mem>>) src(%dma_wait3A_463 : memref<256x128xf32, #tpu.memory_space<vmem>>) dst(%dma_wait3A_459 : memref<256x128xf32, #tpu.memory_space<hbm>>)
    %add3A_464 = arith.constant 1792 : i32
    %add3A_465 = arith.addi %mul3A_111, %add3A_464 : i32
    %dma_start3A_466 = arith.constant 1 : i32
    %dma_start3A_467 = arith.constant 0 : i32
    %dma_start3A_468 = arith.constant 0 : i32
    %dma_start3A_469 = tpu.memref_slice %arg8[%dma_start3A_466, %dma_start3A_467, %dma_start3A_468] : memref<3x256x128xf32, #tpu.memory_space<vmem>> -> memref<1x256x128xf32, #tpu.memory_space<vmem>>
    %dma_start3A_470 = tpu.memref_squeeze %dma_start3A_469 : memref<1x256x128xf32, #tpu.memory_space<vmem>> -> memref<256x128xf32, #tpu.memory_space<vmem>>
    %dma_start3A_471 = arith.constant 0 : i32
    %dma_start3A_472 = tpu.memref_slice %arg2[%reduce_max3A_109, %add3A_465, %dma_start3A_471] : memref<64x4096x128xf32, #tpu.memory_space<hbm>> -> memref<1x256x128xf32, #tpu.memory_space<hbm>>
    %dma_start3A_473 = tpu.memref_squeeze %dma_start3A_472 : memref<1x256x128xf32, #tpu.memory_space<hbm>> -> memref<256x128xf32, #tpu.memory_space<hbm>>
    %dma_start3A_474 = arith.constant 0 : i32
    %dma_start3A_475 = arith.constant 0 : i32
    %dma_start3A_476 = tpu.memref_slice %arg8[%dma_start3A_466, %dma_start3A_474, %dma_start3A_475] : memref<3x256x128xf32, #tpu.memory_space<vmem>> -> memref<1x256x128xf32, #tpu.memory_space<vmem>>
    %dma_start3A_477 = tpu.memref_squeeze %dma_start3A_476 : memref<1x256x128xf32, #tpu.memory_space<vmem>> -> memref<256x128xf32, #tpu.memory_space<vmem>>
    %dma_start3A_478 = arith.constant 0 : i32
    %dma_start3A_479 = tpu.memref_slice %arg2[%reduce_max3A_109, %add3A_465, %dma_start3A_478] : memref<64x4096x128xf32, #tpu.memory_space<hbm>> -> memref<1x256x128xf32, #tpu.memory_space<hbm>>
    %dma_start3A_480 = tpu.memref_squeeze %dma_start3A_479 : memref<1x256x128xf32, #tpu.memory_space<hbm>> -> memref<256x128xf32, #tpu.memory_space<hbm>>
    tpu.enqueue_dma source(%dma_start3A_480 : memref<256x128xf32, #tpu.memory_space<hbm>>) target(%dma_start3A_477 : memref<256x128xf32, #tpu.memory_space<vmem>>) target_semaphore(%arg9 : memref<!tpu.dma_semaphore, #tpu.memory_space<semaphore_mem>>)
    %dma_wait3A_481 = arith.constant 2 : i32
    %dma_wait3A_482 = arith.constant 0 : i32
    %dma_wait3A_483 = arith.constant 0 : i32
    %dma_wait3A_484 = tpu.memref_slice %arg8[%dma_wait3A_481, %dma_wait3A_482, %dma_wait3A_483] : memref<3x256x128xf32, #tpu.memory_space<vmem>> -> memref<1x256x128xf32, #tpu.memory_space<vmem>>
    %dma_wait3A_485 = tpu.memref_squeeze %dma_wait3A_484 : memref<1x256x128xf32, #tpu.memory_space<vmem>> -> memref<256x128xf32, #tpu.memory_space<vmem>>
    %dma_wait3A_486 = arith.constant 0 : i32
    %dma_wait3A_487 = tpu.memref_slice %arg2[%reduce_max3A_109, %add3A_337, %dma_wait3A_486] : memref<64x4096x128xf32, #tpu.memory_space<hbm>> -> memref<1x256x128xf32, #tpu.memory_space<hbm>>
    %dma_wait3A_488 = tpu.memref_squeeze %dma_wait3A_487 : memref<1x256x128xf32, #tpu.memory_space<hbm>> -> memref<256x128xf32, #tpu.memory_space<hbm>>
    %dma_wait3A_489 = arith.constant 0 : i32
    %dma_wait3A_490 = arith.constant 0 : i32
    %dma_wait3A_491 = tpu.memref_slice %arg8[%dma_wait3A_481, %dma_wait3A_489, %dma_wait3A_490] : memref<3x256x128xf32, #tpu.memory_space<vmem>> -> memref<1x256x128xf32, #tpu.memory_space<vmem>>
    %dma_wait3A_492 = tpu.memref_squeeze %dma_wait3A_491 : memref<1x256x128xf32, #tpu.memory_space<vmem>> -> memref<256x128xf32, #tpu.memory_space<vmem>>
    %dma_wait3A_493 = arith.constant 0 : i32
    %dma_wait3A_494 = tpu.memref_slice %arg2[%reduce_max3A_109, %add3A_337, %dma_wait3A_493] : memref<64x4096x128xf32, #tpu.memory_space<hbm>> -> memref<1x256x128xf32, #tpu.memory_space<hbm>>
    %dma_wait3A_495 = tpu.memref_squeeze %dma_wait3A_494 : memref<1x256x128xf32, #tpu.memory_space<hbm>> -> memref<256x128xf32, #tpu.memory_space<hbm>>
    tpu.wait_dma2 semaphore(%arg9 : memref<!tpu.dma_semaphore, #tpu.memory_space<semaphore_mem>>) src(%dma_wait3A_495 : memref<256x128xf32, #tpu.memory_space<hbm>>) dst(%dma_wait3A_492 : memref<256x128xf32, #tpu.memory_space<vmem>>)
    %add3A_496 = arith.constant 1280 : i32
    %add3A_497 = arith.addi %mul3A_111, %add3A_496 : i32
    %dma_start3A_498 = arith.constant 2 : i32
    %dma_start3A_499 = arith.constant 0 : i32
    %dma_start3A_500 = arith.constant 0 : i32
    %dma_start3A_501 = tpu.memref_slice %arg8[%dma_start3A_498, %dma_start3A_499, %dma_start3A_500] : memref<3x256x128xf32, #tpu.memory_space<vmem>> -> memref<1x256x128xf32, #tpu.memory_space<vmem>>
    %dma_start3A_502 = tpu.memref_squeeze %dma_start3A_501 : memref<1x256x128xf32, #tpu.memory_space<vmem>> -> memref<256x128xf32, #tpu.memory_space<vmem>>
    %dma_start3A_503 = arith.constant 0 : i32
    %dma_start3A_504 = tpu.memref_slice %arg5[%div3A_98, %add3A_497, %dma_start3A_503] : memref<16x4096x128xf32, #tpu.memory_space<hbm>> -> memref<1x256x128xf32, #tpu.memory_space<hbm>>
    %dma_start3A_505 = tpu.memref_squeeze %dma_start3A_504 : memref<1x256x128xf32, #tpu.memory_space<hbm>> -> memref<256x128xf32, #tpu.memory_space<hbm>>
    %dma_start3A_506 = arith.constant 0 : i32
    %dma_start3A_507 = tpu.memref_slice %arg5[%div3A_98, %add3A_497, %dma_start3A_506] : memref<16x4096x128xf32, #tpu.memory_space<hbm>> -> memref<1x256x128xf32, #tpu.memory_space<hbm>>
    %dma_start3A_508 = tpu.memref_squeeze %dma_start3A_507 : memref<1x256x128xf32, #tpu.memory_space<hbm>> -> memref<256x128xf32, #tpu.memory_space<hbm>>
    %dma_start3A_509 = arith.constant 0 : i32
    %dma_start3A_510 = arith.constant 0 : i32
    %dma_start3A_511 = tpu.memref_slice %arg8[%dma_start3A_498, %dma_start3A_509, %dma_start3A_510] : memref<3x256x128xf32, #tpu.memory_space<vmem>> -> memref<1x256x128xf32, #tpu.memory_space<vmem>>
    %dma_start3A_512 = tpu.memref_squeeze %dma_start3A_511 : memref<1x256x128xf32, #tpu.memory_space<vmem>> -> memref<256x128xf32, #tpu.memory_space<vmem>>
    tpu.enqueue_dma source(%dma_start3A_512 : memref<256x128xf32, #tpu.memory_space<vmem>>) target(%dma_start3A_508 : memref<256x128xf32, #tpu.memory_space<hbm>>) target_semaphore(%arg10 : memref<!tpu.dma_semaphore, #tpu.memory_space<semaphore_mem>>)
    %dma_wait3A_513 = arith.constant 0 : i32
    %dma_wait3A_514 = arith.constant 0 : i32
    %dma_wait3A_515 = arith.constant 0 : i32
    %dma_wait3A_516 = tpu.memref_slice %arg8[%dma_wait3A_513, %dma_wait3A_514, %dma_wait3A_515] : memref<3x256x128xf32, #tpu.memory_space<vmem>> -> memref<1x256x128xf32, #tpu.memory_space<vmem>>
    %dma_wait3A_517 = tpu.memref_squeeze %dma_wait3A_516 : memref<1x256x128xf32, #tpu.memory_space<vmem>> -> memref<256x128xf32, #tpu.memory_space<vmem>>
    %dma_wait3A_518 = arith.constant 0 : i32
    %dma_wait3A_519 = tpu.memref_slice %arg2[%reduce_max3A_109, %add3A_401, %dma_wait3A_518] : memref<64x4096x128xf32, #tpu.memory_space<hbm>> -> memref<1x256x128xf32, #tpu.memory_space<hbm>>
    %dma_wait3A_520 = tpu.memref_squeeze %dma_wait3A_519 : memref<1x256x128xf32, #tpu.memory_space<hbm>> -> memref<256x128xf32, #tpu.memory_space<hbm>>
    %dma_wait3A_521 = arith.constant 0 : i32
    %dma_wait3A_522 = arith.constant 0 : i32
    %dma_wait3A_523 = tpu.memref_slice %arg8[%dma_wait3A_513, %dma_wait3A_521, %dma_wait3A_522] : memref<3x256x128xf32, #tpu.memory_space<vmem>> -> memref<1x256x128xf32, #tpu.memory_space<vmem>>
    %dma_wait3A_524 = tpu.memref_squeeze %dma_wait3A_523 : memref<1x256x128xf32, #tpu.memory_space<vmem>> -> memref<256x128xf32, #tpu.memory_space<vmem>>
    %dma_wait3A_525 = arith.constant 0 : i32
    %dma_wait3A_526 = tpu.memref_slice %arg2[%reduce_max3A_109, %add3A_401, %dma_wait3A_525] : memref<64x4096x128xf32, #tpu.memory_space<hbm>> -> memref<1x256x128xf32, #tpu.memory_space<hbm>>
    %dma_wait3A_527 = tpu.memref_squeeze %dma_wait3A_526 : memref<1x256x128xf32, #tpu.memory_space<hbm>> -> memref<256x128xf32, #tpu.memory_space<hbm>>
    tpu.wait_dma2 semaphore(%arg9 : memref<!tpu.dma_semaphore, #tpu.memory_space<semaphore_mem>>) src(%dma_wait3A_527 : memref<256x128xf32, #tpu.memory_space<hbm>>) dst(%dma_wait3A_524 : memref<256x128xf32, #tpu.memory_space<vmem>>)
    %add3A_528 = arith.constant 1536 : i32
    %add3A_529 = arith.addi %mul3A_111, %add3A_528 : i32
    %dma_start3A_530 = arith.constant 0 : i32
    %dma_start3A_531 = arith.constant 0 : i32
    %dma_start3A_532 = arith.constant 0 : i32
    %dma_start3A_533 = tpu.memref_slice %arg8[%dma_start3A_530, %dma_start3A_531, %dma_start3A_532] : memref<3x256x128xf32, #tpu.memory_space<vmem>> -> memref<1x256x128xf32, #tpu.memory_space<vmem>>
    %dma_start3A_534 = tpu.memref_squeeze %dma_start3A_533 : memref<1x256x128xf32, #tpu.memory_space<vmem>> -> memref<256x128xf32, #tpu.memory_space<vmem>>
    %dma_start3A_535 = arith.constant 0 : i32
    %dma_start3A_536 = tpu.memref_slice %arg5[%div3A_98, %add3A_529, %dma_start3A_535] : memref<16x4096x128xf32, #tpu.memory_space<hbm>> -> memref<1x256x128xf32, #tpu.memory_space<hbm>>
    %dma_start3A_537 = tpu.memref_squeeze %dma_start3A_536 : memref<1x256x128xf32, #tpu.memory_space<hbm>> -> memref<256x128xf32, #tpu.memory_space<hbm>>
    %dma_start3A_538 = arith.constant 0 : i32
    %dma_start3A_539 = tpu.memref_slice %arg5[%div3A_98, %add3A_529, %dma_start3A_538] : memref<16x4096x128xf32, #tpu.memory_space<hbm>> -> memref<1x256x128xf32, #tpu.memory_space<hbm>>
    %dma_start3A_540 = tpu.memref_squeeze %dma_start3A_539 : memref<1x256x128xf32, #tpu.memory_space<hbm>> -> memref<256x128xf32, #tpu.memory_space<hbm>>
    %dma_start3A_541 = arith.constant 0 : i32
    %dma_start3A_542 = arith.constant 0 : i32
    %dma_start3A_543 = tpu.memref_slice %arg8[%dma_start3A_530, %dma_start3A_541, %dma_start3A_542] : memref<3x256x128xf32, #tpu.memory_space<vmem>> -> memref<1x256x128xf32, #tpu.memory_space<vmem>>
    %dma_start3A_544 = tpu.memref_squeeze %dma_start3A_543 : memref<1x256x128xf32, #tpu.memory_space<vmem>> -> memref<256x128xf32, #tpu.memory_space<vmem>>
    tpu.enqueue_dma source(%dma_start3A_544 : memref<256x128xf32, #tpu.memory_space<vmem>>) target(%dma_start3A_540 : memref<256x128xf32, #tpu.memory_space<hbm>>) target_semaphore(%arg10 : memref<!tpu.dma_semaphore, #tpu.memory_space<semaphore_mem>>)
    %dma_wait3A_545 = arith.constant 1 : i32
    %dma_wait3A_546 = arith.constant 0 : i32
    %dma_wait3A_547 = arith.constant 0 : i32
    %dma_wait3A_548 = tpu.memref_slice %arg8[%dma_wait3A_545, %dma_wait3A_546, %dma_wait3A_547] : memref<3x256x128xf32, #tpu.memory_space<vmem>> -> memref<1x256x128xf32, #tpu.memory_space<vmem>>
    %dma_wait3A_549 = tpu.memref_squeeze %dma_wait3A_548 : memref<1x256x128xf32, #tpu.memory_space<vmem>> -> memref<256x128xf32, #tpu.memory_space<vmem>>
    %dma_wait3A_550 = arith.constant 0 : i32
    %dma_wait3A_551 = tpu.memref_slice %arg2[%reduce_max3A_109, %add3A_465, %dma_wait3A_550] : memref<64x4096x128xf32, #tpu.memory_space<hbm>> -> memref<1x256x128xf32, #tpu.memory_space<hbm>>
    %dma_wait3A_552 = tpu.memref_squeeze %dma_wait3A_551 : memref<1x256x128xf32, #tpu.memory_space<hbm>> -> memref<256x128xf32, #tpu.memory_space<hbm>>
    %dma_wait3A_553 = arith.constant 0 : i32
    %dma_wait3A_554 = arith.constant 0 : i32
    %dma_wait3A_555 = tpu.memref_slice %arg8[%dma_wait3A_545, %dma_wait3A_553, %dma_wait3A_554] : memref<3x256x128xf32, #tpu.memory_space<vmem>> -> memref<1x256x128xf32, #tpu.memory_space<vmem>>
    %dma_wait3A_556 = tpu.memref_squeeze %dma_wait3A_555 : memref<1x256x128xf32, #tpu.memory_space<vmem>> -> memref<256x128xf32, #tpu.memory_space<vmem>>
    %dma_wait3A_557 = arith.constant 0 : i32
    %dma_wait3A_558 = tpu.memref_slice %arg2[%reduce_max3A_109, %add3A_465, %dma_wait3A_557] : memref<64x4096x128xf32, #tpu.memory_space<hbm>> -> memref<1x256x128xf32, #tpu.memory_space<hbm>>
    %dma_wait3A_559 = tpu.memref_squeeze %dma_wait3A_558 : memref<1x256x128xf32, #tpu.memory_space<hbm>> -> memref<256x128xf32, #tpu.memory_space<hbm>>
    tpu.wait_dma2 semaphore(%arg9 : memref<!tpu.dma_semaphore, #tpu.memory_space<semaphore_mem>>) src(%dma_wait3A_559 : memref<256x128xf32, #tpu.memory_space<hbm>>) dst(%dma_wait3A_556 : memref<256x128xf32, #tpu.memory_space<vmem>>)
    %add3A_560 = arith.constant 1792 : i32
    %add3A_561 = arith.addi %mul3A_111, %add3A_560 : i32
    %dma_start3A_562 = arith.constant 1 : i32
    %dma_start3A_563 = arith.constant 0 : i32
    %dma_start3A_564 = arith.constant 0 : i32
    %dma_start3A_565 = tpu.memref_slice %arg8[%dma_start3A_562, %dma_start3A_563, %dma_start3A_564] : memref<3x256x128xf32, #tpu.memory_space<vmem>> -> memref<1x256x128xf32, #tpu.memory_space<vmem>>
    %dma_start3A_566 = tpu.memref_squeeze %dma_start3A_565 : memref<1x256x128xf32, #tpu.memory_space<vmem>> -> memref<256x128xf32, #tpu.memory_space<vmem>>
    %dma_start3A_567 = arith.constant 0 : i32
    %dma_start3A_568 = tpu.memref_slice %arg5[%div3A_98, %add3A_561, %dma_start3A_567] : memref<16x4096x128xf32, #tpu.memory_space<hbm>> -> memref<1x256x128xf32, #tpu.memory_space<hbm>>
    %dma_start3A_569 = tpu.memref_squeeze %dma_start3A_568 : memref<1x256x128xf32, #tpu.memory_space<hbm>> -> memref<256x128xf32, #tpu.memory_space<hbm>>
    %dma_start3A_570 = arith.constant 0 : i32
    %dma_start3A_571 = tpu.memref_slice %arg5[%div3A_98, %add3A_561, %dma_start3A_570] : memref<16x4096x128xf32, #tpu.memory_space<hbm>> -> memref<1x256x128xf32, #tpu.memory_space<hbm>>
    %dma_start3A_572 = tpu.memref_squeeze %dma_start3A_571 : memref<1x256x128xf32, #tpu.memory_space<hbm>> -> memref<256x128xf32, #tpu.memory_space<hbm>>
    %dma_start3A_573 = arith.constant 0 : i32
    %dma_start3A_574 = arith.constant 0 : i32
    %dma_start3A_575 = tpu.memref_slice %arg8[%dma_start3A_562, %dma_start3A_573, %dma_start3A_574] : memref<3x256x128xf32, #tpu.memory_space<vmem>> -> memref<1x256x128xf32, #tpu.memory_space<vmem>>
    %dma_start3A_576 = tpu.memref_squeeze %dma_start3A_575 : memref<1x256x128xf32, #tpu.memory_space<vmem>> -> memref<256x128xf32, #tpu.memory_space<vmem>>
    tpu.enqueue_dma source(%dma_start3A_576 : memref<256x128xf32, #tpu.memory_space<vmem>>) target(%dma_start3A_572 : memref<256x128xf32, #tpu.memory_space<hbm>>) target_semaphore(%arg10 : memref<!tpu.dma_semaphore, #tpu.memory_space<semaphore_mem>>)
    %dma_wait3A_577 = arith.constant 2 : i32
    %dma_wait3A_578 = arith.constant 0 : i32
    %dma_wait3A_579 = arith.constant 0 : i32
    %dma_wait3A_580 = tpu.memref_slice %arg8[%dma_wait3A_577, %dma_wait3A_578, %dma_wait3A_579] : memref<3x256x128xf32, #tpu.memory_space<vmem>> -> memref<1x256x128xf32, #tpu.memory_space<vmem>>
    %dma_wait3A_581 = tpu.memref_squeeze %dma_wait3A_580 : memref<1x256x128xf32, #tpu.memory_space<vmem>> -> memref<256x128xf32, #tpu.memory_space<vmem>>
    %dma_wait3A_582 = arith.constant 0 : i32
    %dma_wait3A_583 = tpu.memref_slice %arg5[%div3A_98, %add3A_497, %dma_wait3A_582] : memref<16x4096x128xf32, #tpu.memory_space<hbm>> -> memref<1x256x128xf32, #tpu.memory_space<hbm>>
    %dma_wait3A_584 = tpu.memref_squeeze %dma_wait3A_583 : memref<1x256x128xf32, #tpu.memory_space<hbm>> -> memref<256x128xf32, #tpu.memory_space<hbm>>
    %dma_wait3A_585 = arith.constant 0 : i32
    %dma_wait3A_586 = tpu.memref_slice %arg5[%div3A_98, %add3A_497, %dma_wait3A_585] : memref<16x4096x128xf32, #tpu.memory_space<hbm>> -> memref<1x256x128xf32, #tpu.memory_space<hbm>>
    %dma_wait3A_587 = tpu.memref_squeeze %dma_wait3A_586 : memref<1x256x128xf32, #tpu.memory_space<hbm>> -> memref<256x128xf32, #tpu.memory_space<hbm>>
    %dma_wait3A_588 = arith.constant 0 : i32
    %dma_wait3A_589 = arith.constant 0 : i32
    %dma_wait3A_590 = tpu.memref_slice %arg8[%dma_wait3A_577, %dma_wait3A_588, %dma_wait3A_589] : memref<3x256x128xf32, #tpu.memory_space<vmem>> -> memref<1x256x128xf32, #tpu.memory_space<vmem>>
    %dma_wait3A_591 = tpu.memref_squeeze %dma_wait3A_590 : memref<1x256x128xf32, #tpu.memory_space<vmem>> -> memref<256x128xf32, #tpu.memory_space<vmem>>
    tpu.wait_dma2 semaphore(%arg10 : memref<!tpu.dma_semaphore, #tpu.memory_space<semaphore_mem>>) src(%dma_wait3A_591 : memref<256x128xf32, #tpu.memory_space<vmem>>) dst(%dma_wait3A_587 : memref<256x128xf32, #tpu.memory_space<hbm>>)
    %dma_wait3A_592 = arith.constant 0 : i32
    %dma_wait3A_593 = arith.constant 0 : i32
    %dma_wait3A_594 = arith.constant 0 : i32
    %dma_wait3A_595 = tpu.memref_slice %arg8[%dma_wait3A_592, %dma_wait3A_593, %dma_wait3A_594] : memref<3x256x128xf32, #tpu.memory_space<vmem>> -> memref<1x256x128xf32, #tpu.memory_space<vmem>>
    %dma_wait3A_596 = tpu.memref_squeeze %dma_wait3A_595 : memref<1x256x128xf32, #tpu.memory_space<vmem>> -> memref<256x128xf32, #tpu.memory_space<vmem>>
    %dma_wait3A_597 = arith.constant 0 : i32
    %dma_wait3A_598 = tpu.memref_slice %arg5[%div3A_98, %add3A_529, %dma_wait3A_597] : memref<16x4096x128xf32, #tpu.memory_space<hbm>> -> memref<1x256x128xf32, #tpu.memory_space<hbm>>
    %dma_wait3A_599 = tpu.memref_squeeze %dma_wait3A_598 : memref<1x256x128xf32, #tpu.memory_space<hbm>> -> memref<256x128xf32, #tpu.memory_space<hbm>>
    %dma_wait3A_600 = arith.constant 0 : i32
    %dma_wait3A_601 = tpu.memref_slice %arg5[%div3A_98, %add3A_529, %dma_wait3A_600] : memref<16x4096x128xf32, #tpu.memory_space<hbm>> -> memref<1x256x128xf32, #tpu.memory_space<hbm>>
    %dma_wait3A_602 = tpu.memref_squeeze %dma_wait3A_601 : memref<1x256x128xf32, #tpu.memory_space<hbm>> -> memref<256x128xf32, #tpu.memory_space<hbm>>
    %dma_wait3A_603 = arith.constant 0 : i32
    %dma_wait3A_604 = arith.constant 0 : i32
    %dma_wait3A_605 = tpu.memref_slice %arg8[%dma_wait3A_592, %dma_wait3A_603, %dma_wait3A_604] : memref<3x256x128xf32, #tpu.memory_space<vmem>> -> memref<1x256x128xf32, #tpu.memory_space<vmem>>
    %dma_wait3A_606 = tpu.memref_squeeze %dma_wait3A_605 : memref<1x256x128xf32, #tpu.memory_space<vmem>> -> memref<256x128xf32, #tpu.memory_space<vmem>>
    tpu.wait_dma2 semaphore(%arg10 : memref<!tpu.dma_semaphore, #tpu.memory_space<semaphore_mem>>) src(%dma_wait3A_606 : memref<256x128xf32, #tpu.memory_space<vmem>>) dst(%dma_wait3A_602 : memref<256x128xf32, #tpu.memory_space<hbm>>)
    %dma_wait3A_607 = arith.constant 1 : i32
    %dma_wait3A_608 = arith.constant 0 : i32
    %dma_wait3A_609 = arith.constant 0 : i32
    %dma_wait3A_610 = tpu.memref_slice %arg8[%dma_wait3A_607, %dma_wait3A_608, %dma_wait3A_609] : memref<3x256x128xf32, #tpu.memory_space<vmem>> -> memref<1x256x128xf32, #tpu.memory_space<vmem>>
    %dma_wait3A_611 = tpu.memref_squeeze %dma_wait3A_610 : memref<1x256x128xf32, #tpu.memory_space<vmem>> -> memref<256x128xf32, #tpu.memory_space<vmem>>
    %dma_wait3A_612 = arith.constant 0 : i32
    %dma_wait3A_613 = tpu.memref_slice %arg5[%div3A_98, %add3A_561, %dma_wait3A_612] : memref<16x4096x128xf32, #tpu.memory_space<hbm>> -> memref<1x256x128xf32, #tpu.memory_space<hbm>>
    %dma_wait3A_614 = tpu.memref_squeeze %dma_wait3A_613 : memref<1x256x128xf32, #tpu.memory_space<hbm>> -> memref<256x128xf32, #tpu.memory_space<hbm>>
    %dma_wait3A_615 = arith.constant 0 : i32
    %dma_wait3A_616 = tpu.memref_slice %arg5[%div3A_98, %add3A_561, %dma_wait3A_615] : memref<16x4096x128xf32, #tpu.memory_space<hbm>> -> memref<1x256x128xf32, #tpu.memory_space<hbm>>
    %dma_wait3A_617 = tpu.memref_squeeze %dma_wait3A_616 : memref<1x256x128xf32, #tpu.memory_space<hbm>> -> memref<256x128xf32, #tpu.memory_space<hbm>>
    %dma_wait3A_618 = arith.constant 0 : i32
    %dma_wait3A_619 = arith.constant 0 : i32
    %dma_wait3A_620 = tpu.memref_slice %arg8[%dma_wait3A_607, %dma_wait3A_618, %dma_wait3A_619] : memref<3x256x128xf32, #tpu.memory_space<vmem>> -> memref<1x256x128xf32, #tpu.memory_space<vmem>>
    %dma_wait3A_621 = tpu.memref_squeeze %dma_wait3A_620 : memref<1x256x128xf32, #tpu.memory_space<vmem>> -> memref<256x128xf32, #tpu.memory_space<vmem>>
    tpu.wait_dma2 semaphore(%arg10 : memref<!tpu.dma_semaphore, #tpu.memory_space<semaphore_mem>>) src(%dma_wait3A_621 : memref<256x128xf32, #tpu.memory_space<vmem>>) dst(%dma_wait3A_617 : memref<256x128xf32, #tpu.memory_space<hbm>>)
    return
  }
}

</mosaic_0001>

<sc_bundles>
// kernel: _merge_filter.3.cloned.1.call-start
scs
__scs_entry_jumppad:
0x0: {  	(pc) =	sbr.rel $0x88, $3  }
0x1: {  	(tag) =	ssettag $0x0;
	lr =	simm.s32 $0x1  }
0x2: {  	[smem:$0x3F9E] =	sst lr;
	_ =	strace $0xD0000000  }
0x3: {  	_ = 	snop  }
0x4: {  	_ = 	snop  }
0x5: {  	_ = 	snop  }
0x6: {  	_ = 	snop  }
0x7: {  	_ = 	snop  }
__scs_overlays_trampoline_lowered:
0x8: {  	[smem:$0x3FAD] =	sst s0  }
0x9: {  	[smem:$0x3FAE] =	sst s1  }
0xa: {  	[smem:$0x3FAF] =	sst s2  }
0xb: {  	[smem:$0x3FB0] =	sst s3  }
0xc: {  	[smem:$0x3FB1] =	sst s4  }
0xd: {  	[smem:$0x3FB2] =	sst s5  }
0xe: {  	[smem:$0x3FB3] =	sst s6  }
0xf: {  	[smem:$0x3FB4] =	sst s7  }
0x10: {  	[smem:$0x3FB5] =	sst s8  }
0x11: {  	[smem:$0x3FB6] =	sst s9;
	s0 =	simm.s32 @!p0 $0x0  }
0x12: {  	s1 =	sld [smem:$0x3F9C];
	s0 =	simm.s32 @p0 $0x1  }
0x13: {  	[smem:$0x3FB7] =	sst s0;
	s0 =	simm.s32 @!p1 $0x0  }
0x14: {  	s2 =	sld [smem:$0x3F9B];
	s0 =	simm.s32 @p1 $0x1  }
0x15: {  	[smem:$0x3FB8] =	sst s0;
	s0 =	simm.s32 @!p2 $0x0  }
0x16: {  	s3 =	sld [smem:$0x3FDB];
	s0 =	simm.s32 @p2 $0x1  }
0x17: {  	s4 =	simm.s32 $0x1BF5;
	[smem:$0x3FBA] =	sst s0  }
0x18: {  	s0 =	sld [smem:$0x3F9D];
	_ =	swait.ge [sflag:s4], $0x0  }
0x19: {  	s7 =	sld [smem:$0x3F9E]  }
0x1a: {  	s8 =	sadd.s32 $0xFFFFE003, lr  }
0x1b: {  	s9 =	sadd.s32 $0xFFFFFEF7, lr;
	s5 =	simm.s32 $0xFFFFFFFF;
	p2 =	slt.u32 s8, $0xFFFFF086  }
0x1c: {  	p1 =	slt.u32 s9, $0xF7A;
	s5 =	simm.s32 @!p2 $0x0  }
0x1d: {  	s5 =	simm.s32 @p1 $0x1;
	p0 =	seq.s32 s7, s2  }
0x1e: {  	s7 =	smul.u32 @!p0 $0xF7A, s2;
	p2 =	seq.s32 @!p0 s5, $0x0  }
0x1f: {  	s9 =	smul.u32 $0xF7A, s1;
	s8 =	simm.s32 @!p0 $0x1BF5;
	p2 =	por !p2, p0  }
0x20: {  	[sflag:s8] =	ssyncset.s32 @!p0 $0xFFFFF086;
	s6 =	sadd.s32 @!p0 s3, s7;
	s7 =	simm.s32 @!p0 $0x108  }
0x21: {  	s3 =	sadd.s32 s3, s9;
	s6 =	sadd.s32 @!p0 $0x88, s6;
	s7 =	simm.s32 @p2 $0x1082  }
0x22: {  	[simem:s7], [sflag:s8] =	dma.local @!p0 [hbm:s6], $0xF7A  }
0x23: {  	s9 =	sor.u32 $0xD0000000, s2;
	s6 =	simm.s32 $0x108;
	_ =	swait.ge @!p0 [sflag:s8], $0x0  }
0x24: {  	s3 =	sadd.s32 $0x88, s3;
	s6 =	simm.s32 @!p1 $0x1082;
	[sflag:s4] =	ssyncset.s32 $0xFFFFF086  }
0x25: {  	[simem:s6], [sflag:s4] =	dma.local [hbm:s3], $0xF7A  }
0x26: {  	[smem:$0x3F9E] =	sst s1;
	(tag) =	ssettag s2;
	_ =	strace s9  }
0x27: {  	s1 =	sld [smem:$0x3FAE]  }
0x28: {  	s2 =	sld [smem:$0x3FAF]  }
0x29: {  	s4 =	sld [smem:$0x3FB1]  }
0x2a: {  	p0 =	seq.s32 s5, $0x0;
	s5 =	sld [smem:$0x3FB2]  }
0x2b: {  	s6 =	sld [smem:$0x3FB3]  }
0x2c: {  	s7 =	sld [smem:$0x3FB4]  }
0x2d: {  	s3 =	simm.s32 $0x108;
	s8 =	sld [smem:$0x3FB5]  }
0x2e: {  	s3 =	simm.s32 @!p0 $0x1082;
	s9 =	sld [smem:$0x3FB6]  }
0x2f: {  	lr =	sadd.s32 s0, s3;
	s0 =	sld [smem:$0x3FAD]  }
0x30: {  	s3 =	sld [smem:$0x3FB0]  }
0x31: {  	[smem:$0x3FB9] =	sst s10  }
0x32: {  	s10 =	sld [smem:$0x3FB7];
	_ =	sdelay $0x3  }
0x33: {  	p0 =	seq.s32 s10, $0x1;
	s10 =	sld [smem:$0x3FB9];
	_ =	sdelay $0x3  }
0x34: {  	[smem:$0x3FB9] =	sst s10  }
0x35: {  	s10 =	sld [smem:$0x3FB8];
	_ =	sdelay $0x3  }
0x36: {  	p1 =	seq.s32 s10, $0x1;
	s10 =	sld [smem:$0x3FB9];
	_ =	sdelay $0x3  }
0x37: {  	[smem:$0x3FB9] =	sst s10  }
0x38: {  	s10 =	sld [smem:$0x3FBA]  }
0x39: {  	_ = 	snop;
	(pc) =	sbr.ind lr, $3  }
0x3a: {  	_ = 	snop  }
0x3b: {  	_ = 	snop  }
0x3c: {  	p2 =	seq.s32 s10, $0x1;
	s10 =	sld [smem:$0x3FB9]  }
0x3d: {  	_ =	shalt  }
0x3e: {  	_ =	shalt  }
0x3f: {  	_ =	shalt  }
0x40: {  	_ =	shalt  }
0x41: {  	_ =	shalt  }
0x42: {  	_ =	shalt  }
0x43: {  	_ =	shalt  }
0x44: {  	_ =	shalt  }
0x45: {  	_ =	shalt  }
0x46: {  	_ =	shalt  }
0x47: {  	_ =	shalt  }
0x48: {  	_ =	shalt  }
0x49: {  	_ =	shalt  }
0x4a: {  	_ =	shalt  }
0x4b: {  	_ =	shalt  }
0x4c: {  	_ =	shalt  }
0x4d: {  	_ =	shalt  }
0x4e: {  	_ =	shalt  }
0x4f: {  	_ =	shalt  }
0x50: {  	_ =	shalt  }
0x51: {  	_ =	shalt  }
0x52: {  	_ =	shalt  }
0x53: {  	_ =	shalt  }
0x54: {  	_ =	shalt  }
0x55: {  	_ =	shalt  }
0x56: {  	_ =	shalt  }
0x57: {  	_ =	shalt  }
0x58: {  	_ =	shalt  }
0x59: {  	_ =	shalt  }
0x5a: {  	_ =	shalt  }
0x5b: {  	_ =	shalt  }
0x5c: {  	_ =	shalt  }
0x5d: {  	_ =	shalt  }
0x5e: {  	_ =	shalt  }
0x5f: {  	_ =	shalt  }
0x60: {  	_ =	shalt  }
0x61: {  	_ =	shalt  }
0x62: {  	_ =	shalt  }
0x63: {  	_ =	shalt  }
0x64: {  	_ =	shalt  }
0x65: {  	_ =	shalt  }
0x66: {  	_ =	shalt  }
0x67: {  	_ =	shalt  }
0x68: {  	_ =	shalt  }
0x69: {  	_ =	shalt  }
0x6a: {  	_ =	shalt  }
0x6b: {  	_ =	shalt  }
0x6c: {  	_ =	shalt  }
0x6d: {  	_ =	shalt  }
0x6e: {  	_ =	shalt  }
0x6f: {  	_ =	shalt  }
0x70: {  	_ =	shalt  }
0x71: {  	_ =	shalt  }
0x72: {  	_ =	shalt  }
0x73: {  	_ =	shalt  }
0x74: {  	_ =	shalt  }
0x75: {  	_ =	shalt  }
0x76: {  	_ =	shalt  }
0x77: {  	_ =	shalt  }
0x78: {  	_ =	shalt  }
0x79: {  	_ =	shalt  }
0x7a: {  	_ =	shalt  }
0x7b: {  	_ =	shalt  }
0x7c: {  	_ =	shalt  }
0x7d: {  	_ =	shalt  }
0x7e: {  	_ =	shalt  }
0x7f: {  	_ =	shalt  }
0x80: {  	_ =	shalt  }
0x81: {  	_ =	shalt  }
0x82: {  	_ =	shalt  }
0x83: {  	_ =	shalt  }
0x84: {  	_ =	shalt  }
0x85: {  	_ =	shalt  }
0x86: {  	_ =	shalt  }
0x87: {  	_ =	shalt  }
.Lfunc_end0:
.L_simem_size_0:
called_computation_lowered:
.L_overlay_start_0:
0x88: {  	s2 =	sld [smem:$0x3FD9]  }
0x89: {  	s3 =	sld [smem:$0x3FFE];
	_ =	sdelay $0x1  }
0x8a: {  	s1 =	srdreg.scid  }
0x8b: {  	s0 =	sand.u32 $0x1, s1  }
0x8c: {  	s18 =	sshll.u32 s0, $0xA;
	s2 =	sadd.s32 s3, s2  }
0x8d: {  	s2 =	sadd.s32 s2, s18  }
0x8e: {  	[smem:$0x3FC5] =	sst s2  }
0x8f: {  	_ = 	snop  }
0x90: {  	s2 =	sld [smem:$0x3FC9]  }
0x91: {  	s19 =	sld [smem:$0x3FC8]  }
0x92: {  	s4 =	sld [smem:$0x3FC7]  }
0x93: {  	s5 =	sld [smem:$0x3FD0];
	(tm) =	ssettm $0x1  }
0x94: {  	s6 =	sld [smem:$0x3FFB];
	_ =	sdelay $0x3  }
0x95: {  	_ =	strace s6  }
0x96: {  	s6 =	sld [smem:$0x3FFC];
	_ =	sdelay $0x3  }
0x97: {  	_ =	strace s6  }
0x98: {  	s6 =	sld [smem:$0x3FFD];
	_ =	sdelay $0x3  }
0x99: {  	_ =	strace s6  }
0x9a: {  	_ =	strace $0x8FFFFFFF  }
0x9b: {  	s20 =	sld [smem:$0x3FDB];
	_ =	sdelay $0x1  }
0x9c: {  	s7 =	simm.s32 $_scs_section_size  }
0x9d: {  	s8 =	simm.s32 $_size__tile_overlayer_lowered;
	s9 =	simm.s32 $_tile_overlayer_lowered  }
0x9e: {  	s23 =	simm.s32 $0x1BFF;
	s22 =	sshll.u32 s9, $0x1;
	s6 =	sadd.s32 s7, s20  }
0x9f: {  	s10 =	simm.s32 $0x0;
	s21 =	sshll.u32 s8, $0x1;
	s8 =	sadd.s32 s22, s6  }
0xa0: {  	[timem:s10], [sflag:s23] =	dma.local [hbm:s8], s21  }
0xa1: {  	_ =	swait.ge [sflag:s23], s21  }
0xa2: {  	s7 =	ssub.s32 $0x0, s21;
	[sflag:s23] =	ssyncset.done $0x0  }
0xa3: {  	[sflag:s23] =	ssyncadd.s32 s7;
	_ =	sdelay $0x1  }
0xa4: {  	s24 =	simm.s32 $0x1B8B  }
0xa5: {  	_ =	swait.ge [sflag:s24], $0x1  }
0xa6: {  	[sflag:s24] =	ssyncset.done $0x0  }
0xa7: {  	s25 =	simm.s32 $0x1B8E;
	[sflag:s24] =	ssyncadd.s32 $0xFFFFFFFF  }
0xa8: {  	s26 =	simm.s32 $execute0_lowered;
	[smem:$0x3FD2] =	sst s25  }
0xa9: {  	s7 =	sshll.u32 s26, $0x1;
	_ =	strace $0x80000046;
	[dreg:$0x1] =	wrdreg $0xFFFFFFFF  }
0xaa: {  	s28 =	simm.s32 $_size_execute0_lowered;
	s6 =	sadd.s32 s6, s7;
	[dreg:$0x0] =	wrdreg $0x0  }
0xab: {  	s7 =	sshll.u32 s28, $0x1;
	[dreg:$0x2] =	wrdreg s6  }
0xac: {  	[dreg:$0x3] =	wrdreg s7  }
0xad: {  	[dreg:$0x4] =	wrdreg $0xC0  }
0xae: {  	_ =	task [dreg:s10], $0x5FFFF  }
0xaf: {  	[dreg:$0x1] =	wrdreg $0xFFFFFFFF  }
0xb0: {  	[dreg:$0x0] =	wrdreg $0x60  }
0xb1: {  	[dreg:$0x2] =	wrdreg s2  }
0xb2: {  	[dreg:$0x3] =	wrdreg s19  }
0xb3: {  	[dreg:$0x4] =	wrdreg s4  }
0xb4: {  	[dreg:$0x5] =	wrdreg s5  }
0xb5: {  	[dreg:$0x6] =	wrdreg $0x9  }
0xb6: {  	_ =	task.clear_ibuf [dreg:s10], $0x7FFFF;
	_ =	strace $0x90000046  }
0xb7: {  	s29 =	simm.s32 $0x9;
	_ =	strace $0x80000048  }
0xb8: {  	_ =	swait.ge [sflag:s29], $0x1  }
0xb9: {  	[sflag:s29] =	ssyncadd.s32 $0xFFFFFFFF  }
0xba: {  	_ =	strace $0x90000048  }
0xbb: {  	_ =	sfence  }
0xbc: {  	s30 =	sld [smem:$0x0];
	_ =	sdelay $0x2  }
0xbd: {  	s31 =	sshll.u32 s1, $0xD;
	s1 =	sshrl.u32 s1, $0x2  }
0xbe: {  	s3 =	sand.u32 $0x4000, s31;
	s1 =	sadd.s32 s1, s30  }
0xbf: {  	s0 =	sor.u32 s3, s0;
	s1 =	sshll.u32 s1, $0x11  }
0xc0: {  	s0 =	sor.u32 s1, s0  }
0xc1: {  	s0 =	sadd.s32 $0x8F2B, s0  }
0xc2: {  	[sflag:s0] =	ssyncadd.remote.s32 $0x1  }
0xc3: {  	_ =	sfence.sel $0xFFFF  }
0xc4: {  	[dreg:$0x0] =	wrdreg $0xFFFFFFFF;
	(pc) =	sbr.abs _section_cstart, $3  }
0xc5: {  	[dreg:$0x1] =	wrdreg $0xFFFFFFFF  }
0xc6: {  	_ =	task.clear_ibuf [dreg:s10], $0x2FFFF;
	_ =	strace $0x9FFFFFFF  }
0xc7: {  	(tm) =	ssettm $0x7FFFFFFF  }
tec
execute0_lowered:
.L_overlay_start_1:
0x0: {  	(tag) =	ssettag $0x1  }
0x1: {  	s3 =	rddreg [dreg:$0x0]  }
0x2: {  	s0 =	rddreg [dreg:$0x1]  }
0x3: {  	s17 =	rddreg [dreg:$0x2]  }
0x4: {  	s8 =	rddreg [dreg:$0x3]  }
0x5: {  	s1 =	srdreg.scid;
	[dreg:$0x5] =	wrdreg s0  }
0x6: {  	s2 =	simm.s32 $0x0;
	s28 =	simm.s32 $0x80;
	[dreg:$0x6] =	wrdreg s17  }
0x7: {  	s0 =	stileid.u32;
	s7 =	sand.u32 $0x1, s1;
	s1 =	rddreg [dreg:$0x4]  }
0x8: {  	[smem:$0x7FF] =	sst s2;
	s14 =	sshll.u32 s7, $0x12;
	s9 =	sshll.u32 s0, $0x13  }
0x9: {  	_ =	strace $0x80000047;
	[dreg:$0xf] =	wrdreg s28;
	s4 =	sor.u32 s14, s9  }
0xa: {  	s15 =	sor.u32 $0x8000, s14;
	s16 =	sor.u32 $0x10000, s14;
	s12 =	sor.u32 $0x18000, s14  }
0xb: {  	s10 =	sor.u32 $0x20000, s14;
	s6 =	sor.u32 $0x28000, s14;
	s26 =	rddreg [dreg:$0x5]  }
0xc: {  	s4 =	sshrl.u32 s4, $0x3;
	s5 =	sor.u32 s9, s15;
	s19 =	sor.u32 s9, s16  }
0xd: {  	s21 =	sor.u32 s9, s12;
	s23 =	sor.u32 s9, s10;
	s11 =	sor.u32 s9, s6  }
0xe: {  	[tilespmem:s2], [sflag:$0x3] =	stream.linear.gather [hbm4b:s26+s2], $0x80, $0x38;
	[tilespmem:$0x18100] =	vst v63  }
0xf: {  	s4 =	sadd.s32 s8, s4;
	s18 =	sshrl.u32 s5, $0x3;
	s20 =	sshrl.u32 s19, $0x3  }
0x10: {  	s5 =	sshrl.u32 s21, $0x3;
	s24 =	sshrl.u32 s23, $0x3;
	s11 =	sshrl.u32 s11, $0x3  }
0x11: {  	[dreg:$0x7] =	wrdreg s4;
	s4 =	sadd.s32 s8, s18;
	s22 =	sadd.s32 s8, s5  }
0x12: {  	s5 =	sor.u32 $0x30000, s14;
	[dreg:$0x8] =	wrdreg s4;
	s4 =	sadd.s32 s8, s20  }
0x13: {  	s11 =	sadd.s32 s8, s11;
	[dreg:$0x9] =	wrdreg s4;
	s4 =	sadd.s32 s8, s24  }
0x14: {  	s13 =	sor.u32 s9, s5;
	[dreg:$0xb] =	wrdreg s4;
	s4 =	sor.u32 $0x38000, s14  }
0x15: {  	[dreg:$0xa] =	wrdreg s22;
	s13 =	sshrl.u32 s13, $0x3;
	s9 =	sor.u32 s9, s4  }
0x16: {  	[dreg:$0xc] =	wrdreg s11;
	s25 =	sadd.s32 s8, s13;
	s9 =	sshrl.u32 s9, $0x3  }
0x17: {  	[dreg:$0xd] =	wrdreg s25;
	s8 =	sadd.s32 s8, s9  }
0x18: {  	s17 =	simm.s32 $0x3;
	[dreg:$0xe] =	wrdreg s8  }
0x19: {  	_ =	swait.ge [sflag:s17], $0x80  }
0x1a: {  	s29 =	rddreg [dreg:$0x6];
	[sflag:s17] =	ssyncset.done $0x0  }
0x1b: {  	s7 =	ssub.s32 $0x2, s7;
	s30 =	rddreg [dreg:$0xf];
	[sflag:s17] =	ssyncadd.s32 $0xFFFFFF80  }
0x1c: {  	[tilespmem:s30], [sflag:$0x3] =	stream.linear.gather [hbm4b:s29+s2], $0x80, $0x38;
	[tilespmem:$0x18100] =	vst v63  }
0x1d: {  	s31 =	sshrl.u32 s7, $0x1;
	_ =	swait.ge [sflag:s17], $0x80  }
0x1e: {  	s7 =	ssub.s32 s7, s31;
	[sflag:s17] =	ssyncset.done $0x0  }
0x1f: {  	s18 =	smax.u32 s7, $0x1;
	[sflag:s17] =	ssyncadd.s32 $0xFFFFFF80  }
0x20: {  	p0 =	sne.s32 s18, $0x1;
	v5 =	vld [tilespmem:$0x90]  }
.Ltmp0:
0x21: {  	v6 =	vld [tilespmem:$0x20];
	(pc) =	sbr.rel @!p0 .LBB2_2-.Ltmp0, $4  }
0x22: {  	v1 =	vlaneseq.u32;
	v7 =	vld [tilespmem:$0xB0]  }
0x23: {  	v10 =	vmul.u32 $0xFFFFFFFF, v1;
	v8 =	vld [tilespmem:$0x30]  }
0x24: {  	v2 =	vor.u32 $0x10, v1;
	v3 =	vor.u32 $0x20, v1;
	v0 =	vmov s0;
	s7 =	simm.s32 $0x2;
	s11 =	simm.s32 $0x1;
	s18 =	sadd.s32 $0xFFFFFFFF, s18;
	v9 =	vld [tilespmem:$0xA0]  }
0x25: {  	v4 =	vor.u32 $0x30, v1;
	vm0 =	veq.s32 v0, v1;
	v0 =	vadd.s32 $0xF, v10;
	s13 =	simm.s32 $0x10100;
	s9 =	simm.s32 $0x100;
	s8 =	simm.s32 $0x8100;
	v10 =	vld [tilespmem:$0x10]  }
.LBB2_1:
0x26: {  	v11 =	vld [tilespmem:$0x80]  }
0x27: {  	v12 =	vld [tilespmem:$0x0]  }
0x28: {  	v7 =	vadd.f32 v7, v8  }
0x29: {  	v6 =	vadd.f32 v9, v6  }
0x2a: {  	v5 =	vadd.f32 v5, v10;
	(xrf1) =	vsort.dscd.msk.f32 $0xffff, v7, v4  }
0x2b: {  	(xrf1) =	vsort.dscd.msk.f32 $0xffff, v6, v3  }
0x2c: {  	v6 =	vadd.f32 v11, v12;
	(xrf1) =	vsort.dscd.msk.f32 $0xffff, v5, v2;
	_ =	sdelay $0x1  }
0x2d: {  	(xrf1) =	vsort.dscd.msk.f32 $0xffff, v6, v1;
	_ =	sdelay $0x9  }
0x2e: {  	v5, v6, _ =	vpop (xrf1)  }
0x2f: {  	v5 =	vperm.xlane v5, v0;
	v7, v8, _ =	vpop (xrf1)  }
0x30: {  	v6 =	vperm.xlane v6, v0;
	v9, v10, _ =	vpop (xrf1)  }
0x31: {  	v9 =	vperm.xlane v9, v0;
	vm1 =	vge.f32 v7, v5  }
0x32: {  	v10 =	vperm.xlane v10, v0;
	v5 =	vsel vm1, v7, v5;
	v6 =	vsel vm1, v8, v6;
	v7, v8, _ =	vpop (xrf1)  }
0x33: {  	vm1 =	vge.f32 v7, v9;
	(xrf1) =	vsort.dscd.msk.f32 $0xffff, v5, v6  }
0x34: {  	v5 =	vsel vm1, v7, v9;
	v6 =	vsel vm1, v8, v10  }
0x35: {  	(xrf1) =	vsort.dscd.msk.f32 $0xffff, v5, v6;
	_ =	sdelay $0xb  }
0x36: {  	v5, v6, _ =	vpop (xrf1)  }
0x37: {  	v5 =	vperm.xlane v5, v0  }
0x38: {  	v6 =	vperm.xlane v6, v0;
	v7, v8, _ =	vpop (xrf1)  }
0x39: {  	vm1 =	vge.f32 v7, v5  }
0x3a: {  	v5 =	vsel vm1, v7, v5;
	v6 =	vsel vm1, v8, v6  }
0x3b: {  	(xrf1) =	vsort.dscd.msk.f32 $0xffff, v5, v6;
	_ =	sdelay $0xd  }
0x3c: {  	_, v5, _ =	vpop (xrf1)  }
0x3d: {  	v5 =	vxor.u32 $0x80000000, v5  }
0x3e: {  	v5 =	vnsel vm0, $0x80000000, v5  }
0x3f: {  	(xrf0) =	vmax.scan.msk.u32 $0xffff, v5;
	_ =	sdelay $0x5  }
0x40: {  	v5, _, _ =	vpop (xrf0)  }
0x41: {  	(v2sf) =	vpush v5, $0xF;
	_ =	sdelay $0xe  }
0x42: {  	s19 =	spop (v2sf)  }
0x43: {  	s19 =	sshll.u32 s19, $0x13  }
0x44: {  	s20 =	sor.u32 s14, s19  }
0x45: {  	s21 =	sor.u32 s15, s19;
	s20 =	sshrl.u32 s20, $0x3  }
0x46: {  	s22 =	sor.u32 s16, s19;
	s21 =	sshrl.u32 s21, $0x3;
	s20 =	sadd.s32 s3, s20  }
0x47: {  	[tilespmem:s9], [sflag:$0x1] =	stream.linear.gather [hbm4b:s20+s2], $0x8000, $0x38;
	[tilespmem:$0x18100] =	vst v63  }
0x48: {  	s22 =	sshrl.u32 s22, $0x3;
	s29 =	sadd.s32 s3, s21  }
0x49: {  	[tilespmem:s8], [sflag:$0x1] =	stream.linear.gather [hbm4b:s29+s2], $0x8000, $0x38;
	[tilespmem:$0x18100] =	vst v63  }
0x4a: {  	s22 =	sadd.s32 s3, s22  }
0x4b: {  	[tilespmem:s13], [sflag:$0x1] =	stream.linear.gather [hbm4b:s22+s2], $0x8000, $0x38;
	[tilespmem:$0x18100] =	vst v63  }
0x4c: {  	_ =	swait.ge [sflag:s11], $0x8000  }
0x4d: {  	[sflag:s11] =	ssyncset.done $0x0  }
0x4e: {  	s28 =	rddreg [dreg:$0x7];
	[sflag:s11] =	ssyncadd.s32 $0xFFFF8000  }
0x4f: {  	[hbm4b:s28+s2] =	stream.linear.scatter [tilespmem:s9], [sflag:$0x2], $0x8000, $0x38;
	[tilespmem:$0x18100] =	vst v63  }
0x50: {  	s23 =	sor.u32 s12, s19;
	_ =	swait.ge [sflag:s7], $0x8000  }
0x51: {  	s30 =	sshrl.u32 s23, $0x3;
	[sflag:s7] =	ssyncset.done $0x0  }
0x52: {  	s21 =	sadd.s32 s3, s30;
	[sflag:s7] =	ssyncadd.s32 $0xFFFF8000  }
0x53: {  	[tilespmem:s9], [sflag:$0x1] =	stream.linear.gather [hbm4b:s21+s2], $0x8000, $0x38;
	[tilespmem:$0x18100] =	vst v63  }
0x54: {  	_ =	swait.ge [sflag:s11], $0x8000  }
0x55: {  	[sflag:s11] =	ssyncset.done $0x0  }
0x56: {  	s29 =	rddreg [dreg:$0x8];
	[sflag:s11] =	ssyncadd.s32 $0xFFFF8000  }
0x57: {  	[hbm4b:s29+s2] =	stream.linear.scatter [tilespmem:s8], [sflag:$0x2], $0x8000, $0x38;
	[tilespmem:$0x18100] =	vst v63  }
0x58: {  	s24 =	sor.u32 s10, s19;
	_ =	swait.ge [sflag:s7], $0x8000  }
0x59: {  	s31 =	sshrl.u32 s24, $0x3;
	[sflag:s7] =	ssyncset.done $0x0  }
0x5a: {  	s30 =	sadd.s32 s3, s31;
	[sflag:s7] =	ssyncadd.s32 $0xFFFF8000  }
0x5b: {  	[tilespmem:s8], [sflag:$0x1] =	stream.linear.gather [hbm4b:s30+s2], $0x8000, $0x38;
	[tilespmem:$0x18100] =	vst v63  }
0x5c: {  	_ =	swait.ge [sflag:s11], $0x8000  }
0x5d: {  	[sflag:s11] =	ssyncset.done $0x0  }
0x5e: {  	s31 =	rddreg [dreg:$0x9];
	[sflag:s11] =	ssyncadd.s32 $0xFFFF8000  }
0x5f: {  	[hbm4b:s31+s2] =	stream.linear.scatter [tilespmem:s13], [sflag:$0x2], $0x8000, $0x38;
	[tilespmem:$0x18100] =	vst v63  }
0x60: {  	s24 =	sor.u32 s6, s19;
	_ =	swait.ge [sflag:s7], $0x8000  }
0x61: {  	s22 =	sshrl.u32 s24, $0x3;
	[sflag:s7] =	ssyncset.done $0x0  }
0x62: {  	s22 =	sadd.s32 s3, s22;
	[sflag:s7] =	ssyncadd.s32 $0xFFFF8000  }
0x63: {  	[tilespmem:s13], [sflag:$0x1] =	stream.linear.gather [hbm4b:s22+s2], $0x8000, $0x38;
	[tilespmem:$0x18100] =	vst v63  }
0x64: {  	_ =	swait.ge [sflag:s11], $0x8000  }
0x65: {  	[sflag:s11] =	ssyncset.done $0x0  }
0x66: {  	s23 =	rddreg [dreg:$0xa];
	[sflag:s11] =	ssyncadd.s32 $0xFFFF8000  }
0x67: {  	[hbm4b:s23+s2] =	stream.linear.scatter [tilespmem:s9], [sflag:$0x2], $0x8000, $0x38;
	[tilespmem:$0x18100] =	vst v63  }
0x68: {  	s25 =	sor.u32 s5, s19;
	_ =	swait.ge [sflag:s7], $0x8000  }
0x69: {  	s26 =	sshrl.u32 s25, $0x3;
	[sflag:s7] =	ssyncset.done $0x0  }
0x6a: {  	s20 =	sadd.s32 s3, s26;
	[sflag:s7] =	ssyncadd.s32 $0xFFFF8000  }
0x6b: {  	[tilespmem:s9], [sflag:$0x1] =	stream.linear.gather [hbm4b:s20+s2], $0x8000, $0x38;
	[tilespmem:$0x18100] =	vst v63  }
0x6c: {  	_ =	swait.ge [sflag:s11], $0x8000  }
0x6d: {  	[sflag:s11] =	ssyncset.done $0x0  }
0x6e: {  	s24 =	rddreg [dreg:$0xb];
	[sflag:s11] =	ssyncadd.s32 $0xFFFF8000  }
0x6f: {  	[hbm4b:s24+s2] =	stream.linear.scatter [tilespmem:s8], [sflag:$0x2], $0x8000, $0x38;
	[tilespmem:$0x18100] =	vst v63  }
0x70: {  	s19 =	sor.u32 s4, s19;
	_ =	swait.ge [sflag:s7], $0x8000  }
0x71: {  	s19 =	sshrl.u32 s19, $0x3;
	[sflag:s7] =	ssyncset.done $0x0  }
0x72: {  	s19 =	sadd.s32 s3, s19;
	[sflag:s7] =	ssyncadd.s32 $0xFFFF8000  }
0x73: {  	[tilespmem:s8], [sflag:$0x1] =	stream.linear.gather [hbm4b:s19+s2], $0x8000, $0x38;
	[tilespmem:$0x18100] =	vst v63  }
0x74: {  	_ =	swait.ge [sflag:s11], $0x8000  }
0x75: {  	[sflag:s11] =	ssyncset.done $0x0  }
0x76: {  	s25 =	rddreg [dreg:$0xc];
	[sflag:s11] =	ssyncadd.s32 $0xFFFF8000  }
0x77: {  	[hbm4b:s25+s2] =	stream.linear.scatter [tilespmem:s13], [sflag:$0x2], $0x8000, $0x38;
	[tilespmem:$0x18100] =	vst v63  }
0x78: {  	_ =	swait.ge [sflag:s11], $0x8000  }
0x79: {  	[sflag:s11] =	ssyncset.done $0x0  }
0x7a: {  	s26 =	rddreg [dreg:$0xd];
	[sflag:s11] =	ssyncadd.s32 $0xFFFF8000  }
0x7b: {  	[hbm4b:s26+s2] =	stream.linear.scatter [tilespmem:s9], [sflag:$0x2], $0x8000, $0x38;
	[tilespmem:$0x18100] =	vst v63  }
0x7c: {  	_ =	swait.ge [sflag:s11], $0x8000  }
0x7d: {  	[sflag:s11] =	ssyncset.done $0x0  }
0x7e: {  	s28 =	rddreg [dreg:$0xe];
	[sflag:s11] =	ssyncadd.s32 $0xFFFF8000  }
0x7f: {  	[hbm4b:s28+s2] =	stream.linear.scatter [tilespmem:s8], [sflag:$0x2], $0x8000, $0x38;
	[tilespmem:$0x18100] =	vst v63  }
0x80: {  	_ =	swait.ge [sflag:s7], $0x8000  }
0x81: {  	[sflag:s7] =	ssyncset.done $0x0  }
0x82: {  	[sflag:s7] =	ssyncadd.s32 $0xFFFF8000  }
0x83: {  	_ =	swait.ge [sflag:s7], $0x8000  }
0x84: {  	[sflag:s7] =	ssyncset.done $0x0  }
0x85: {  	[sflag:s7] =	ssyncadd.s32 $0xFFFF8000  }
0x86: {  	_ =	swait.ge [sflag:s7], $0x8000  }
0x87: {  	[sflag:s7] =	ssyncset.done $0x0  }
0x88: {  	s29 =	rddreg [dreg:$0x5];
	[sflag:s7] =	ssyncadd.s32 $0xFFFF8000  }
0x89: {  	[tilespmem:s2], [sflag:$0x3] =	stream.linear.gather [hbm4b:s29+s2], $0x80, $0x38;
	[tilespmem:$0x18100] =	vst v63  }
0x8a: {  	_ =	swait.ge [sflag:s17], $0x80  }
0x8b: {  	s30 =	rddreg [dreg:$0x6];
	[sflag:s17] =	ssyncset.done $0x0  }
0x8c: {  	s31 =	rddreg [dreg:$0xf];
	[sflag:s17] =	ssyncadd.s32 $0xFFFFFF80  }
0x8d: {  	[tilespmem:s31], [sflag:$0x3] =	stream.linear.gather [hbm4b:s30+s2], $0x80, $0x38;
	[tilespmem:$0x18100] =	vst v63  }
0x8e: {  	_ =	swait.ge [sflag:s17], $0x80  }
0x8f: {  	[sflag:s17] =	ssyncset.done $0x0  }
0x90: {  	[sflag:s17] =	ssyncadd.s32 $0xFFFFFF80  }
0x91: {  	p0 =	sne.s32 s18, $0x1;
	v5 =	vld [tilespmem:$0x90]  }
.Ltmp1:
0x92: {  	v6 =	vld [tilespmem:$0x20];
	(pc) =	sbr.rel @p0 .LBB2_1-.Ltmp1, $4  }
0x93: {  	v7 =	vld [tilespmem:$0xB0]  }
0x94: {  	v8 =	vld [tilespmem:$0x30]  }
0x95: {  	v9 =	vld [tilespmem:$0xA0]  }
0x96: {  	s18 =	sadd.s32 $0xFFFFFFFF, s18;
	v10 =	vld [tilespmem:$0x10]  }
.LBB2_2:
0x97: {  	v11 =	vld [tilespmem:$0x80]  }
0x98: {  	v12 =	vld [tilespmem:$0x0]  }
0x99: {  	v7 =	vadd.f32 v7, v8  }
0x9a: {  	v6 =	vadd.f32 v9, v6  }
0x9b: {  	v5 =	vadd.f32 v5, v10;
	(xrf1) =	vsort.dscd.msk.f32 $0xffff, v7, v4  }
0x9c: {  	(xrf1) =	vsort.dscd.msk.f32 $0xffff, v6, v3  }
0x9d: {  	v51 =	vadd.f32 v11, v12;
	(xrf1) =	vsort.dscd.msk.f32 $0xffff, v5, v2;
	_ =	sdelay $0x1  }
0x9e: {  	(xrf1) =	vsort.dscd.msk.f32 $0xffff, v51, v1;
	_ =	sdelay $0x9  }
0x9f: {  	v53, v52, _ =	vpop (xrf1)  }
0xa0: {  	v1 =	vperm.xlane v53, v0;
	v55, v54, _ =	vpop (xrf1)  }
0xa1: {  	v2 =	vperm.xlane v52, v0;
	v5, v56, _ =	vpop (xrf1)  }
0xa2: {  	v5 =	vperm.xlane v5, v0;
	vm1 =	vge.f32 v55, v1  }
0xa3: {  	v6 =	vperm.xlane v56, v0;
	v57, v58, _ =	vpop (xrf1);
	v1 =	vsel vm1, v55, v1;
	v2 =	vsel vm1, v54, v2  }
0xa4: {  	vm14 =	vge.f32 v57, v5;
	(xrf1) =	vsort.dscd.msk.f32 $0xffff, v1, v2  }
0xa5: {  	v59 =	vsel vm14, v57, v5;
	v60 =	vsel vm14, v58, v6  }
0xa6: {  	(xrf1) =	vsort.dscd.msk.f32 $0xffff, v59, v60;
	_ =	sdelay $0xb  }
0xa7: {  	v1, v2, _ =	vpop (xrf1)  }
0xa8: {  	v1 =	vperm.xlane v1, v0  }
0xa9: {  	v61 =	vperm.xlane v2, v0;
	v63, v62, _ =	vpop (xrf1)  }
0xaa: {  	vm15 =	vge.f32 v63, v1  }
0xab: {  	v1 =	vsel vm15, v63, v1;
	v0 =	vsel vm15, v62, v61  }
0xac: {  	(xrf1) =	vsort.dscd.msk.f32 $0xffff, v1, v0;
	_ =	sdelay $0xd  }
0xad: {  	_, v0, _ =	vpop (xrf1)  }
0xae: {  	v0 =	vxor.u32 $0x80000000, v0  }
0xaf: {  	v0 =	vnsel vm0, $0x80000000, v0  }
0xb0: {  	(xrf0) =	vmax.scan.msk.u32 $0xffff, v0;
	_ =	sdelay $0x5  }
0xb1: {  	v0, _, _ =	vpop (xrf0)  }
0xb2: {  	(v2sf) =	vpush v0, $0xF;
	_ =	sdelay $0xe  }
0xb3: {  	s17 =	spop (v2sf)  }
0xb4: {  	s17 =	sshll.u32 s17, $0x13  }
0xb5: {  	s14 =	sor.u32 s14, s17  }
0xb6: {  	s15 =	sor.u32 s15, s17;
	s14 =	sshrl.u32 s14, $0x3  }
0xb7: {  	s16 =	sor.u32 s16, s17;
	s15 =	sshrl.u32 s15, $0x3;
	s14 =	sadd.s32 s3, s14  }
0xb8: {  	[tilespmem:s9], [sflag:$0x1] =	stream.linear.gather [hbm4b:s14+s2], $0x8000, $0x38;
	[tilespmem:$0x18100] =	vst v63  }
0xb9: {  	s21 =	sshrl.u32 s16, $0x3;
	s15 =	sadd.s32 s3, s15  }
0xba: {  	[tilespmem:s8], [sflag:$0x1] =	stream.linear.gather [hbm4b:s15+s2], $0x8000, $0x38;
	[tilespmem:$0x18100] =	vst v63  }
0xbb: {  	s14 =	sadd.s32 s3, s21  }
0xbc: {  	[tilespmem:s13], [sflag:$0x1] =	stream.linear.gather [hbm4b:s14+s2], $0x8000, $0x38;
	[tilespmem:$0x18100] =	vst v63  }
0xbd: {  	_ =	swait.ge [sflag:s11], $0x8000  }
0xbe: {  	[sflag:s11] =	ssyncset.done $0x0  }
0xbf: {  	s22 =	rddreg [dreg:$0x7];
	[sflag:s11] =	ssyncadd.s32 $0xFFFF8000  }
0xc0: {  	[hbm4b:s22+s2] =	stream.linear.scatter [tilespmem:s9], [sflag:$0x2], $0x8000, $0x38;
	[tilespmem:$0x18100] =	vst v63  }
0xc1: {  	s12 =	sor.u32 s12, s17;
	_ =	swait.ge [sflag:s7], $0x8000  }
0xc2: {  	s12 =	sshrl.u32 s12, $0x3;
	[sflag:s7] =	ssyncset.done $0x0  }
0xc3: {  	s12 =	sadd.s32 s3, s12;
	[sflag:s7] =	ssyncadd.s32 $0xFFFF8000  }
0xc4: {  	[tilespmem:s9], [sflag:$0x1] =	stream.linear.gather [hbm4b:s12+s2], $0x8000, $0x38;
	[tilespmem:$0x18100] =	vst v63  }
0xc5: {  	_ =	swait.ge [sflag:s11], $0x8000  }
0xc6: {  	[sflag:s11] =	ssyncset.done $0x0  }
0xc7: {  	s23 =	rddreg [dreg:$0x8];
	[sflag:s11] =	ssyncadd.s32 $0xFFFF8000  }
0xc8: {  	[hbm4b:s23+s2] =	stream.linear.scatter [tilespmem:s8], [sflag:$0x2], $0x8000, $0x38;
	[tilespmem:$0x18100] =	vst v63  }
0xc9: {  	s10 =	sor.u32 s10, s17;
	_ =	swait.ge [sflag:s7], $0x8000  }
0xca: {  	s10 =	sshrl.u32 s10, $0x3;
	[sflag:s7] =	ssyncset.done $0x0  }
0xcb: {  	s10 =	sadd.s32 s3, s10;
	[sflag:s7] =	ssyncadd.s32 $0xFFFF8000  }
0xcc: {  	[tilespmem:s8], [sflag:$0x1] =	stream.linear.gather [hbm4b:s10+s2], $0x8000, $0x38;
	[tilespmem:$0x18100] =	vst v63  }
0xcd: {  	_ =	swait.ge [sflag:s11], $0x8000  }
0xce: {  	[sflag:s11] =	ssyncset.done $0x0  }
0xcf: {  	s24 =	rddreg [dreg:$0x9];
	[sflag:s11] =	ssyncadd.s32 $0xFFFF8000  }
0xd0: {  	[hbm4b:s24+s2] =	stream.linear.scatter [tilespmem:s13], [sflag:$0x2], $0x8000, $0x38;
	[tilespmem:$0x18100] =	vst v63  }
0xd1: {  	s6 =	sor.u32 s6, s17;
	_ =	swait.ge [sflag:s7], $0x8000  }
0xd2: {  	s6 =	sshrl.u32 s6, $0x3;
	[sflag:s7] =	ssyncset.done $0x0  }
0xd3: {  	s6 =	sadd.s32 s3, s6;
	[sflag:s7] =	ssyncadd.s32 $0xFFFF8000  }
0xd4: {  	[tilespmem:s13], [sflag:$0x1] =	stream.linear.gather [hbm4b:s6+s2], $0x8000, $0x38;
	[tilespmem:$0x18100] =	vst v63  }
0xd5: {  	_ =	swait.ge [sflag:s11], $0x8000  }
0xd6: {  	[sflag:s11] =	ssyncset.done $0x0  }
0xd7: {  	s25 =	rddreg [dreg:$0xa];
	[sflag:s11] =	ssyncadd.s32 $0xFFFF8000  }
0xd8: {  	[hbm4b:s25+s2] =	stream.linear.scatter [tilespmem:s9], [sflag:$0x2], $0x8000, $0x38;
	[tilespmem:$0x18100] =	vst v63  }
0xd9: {  	s5 =	sor.u32 s5, s17;
	_ =	swait.ge [sflag:s7], $0x8000  }
0xda: {  	s5 =	sshrl.u32 s5, $0x3;
	[sflag:s7] =	ssyncset.done $0x0  }
0xdb: {  	s5 =	sadd.s32 s3, s5;
	[sflag:s7] =	ssyncadd.s32 $0xFFFF8000  }
0xdc: {  	[tilespmem:s9], [sflag:$0x1] =	stream.linear.gather [hbm4b:s5+s2], $0x8000, $0x38;
	[tilespmem:$0x18100] =	vst v63  }
0xdd: {  	_ =	swait.ge [sflag:s11], $0x8000  }
0xde: {  	[sflag:s11] =	ssyncset.done $0x0  }
0xdf: {  	s26 =	rddreg [dreg:$0xb];
	[sflag:s11] =	ssyncadd.s32 $0xFFFF8000  }
0xe0: {  	[hbm4b:s26+s2] =	stream.linear.scatter [tilespmem:s8], [sflag:$0x2], $0x8000, $0x38;
	[tilespmem:$0x18100] =	vst v63  }
0xe1: {  	s4 =	sor.u32 s4, s17;
	_ =	swait.ge [sflag:s7], $0x8000  }
0xe2: {  	s4 =	sshrl.u32 s4, $0x3;
	[sflag:s7] =	ssyncset.done $0x0  }
0xe3: {  	s28 =	sadd.s32 s3, s4;
	[sflag:s7] =	ssyncadd.s32 $0xFFFF8000  }
0xe4: {  	[tilespmem:s8], [sflag:$0x1] =	stream.linear.gather [hbm4b:s28+s2], $0x8000, $0x38;
	[tilespmem:$0x18100] =	vst v63  }
0xe5: {  	_ =	swait.ge [sflag:s11], $0x8000  }
0xe6: {  	[sflag:s11] =	ssyncset.done $0x0  }
0xe7: {  	s29 =	rddreg [dreg:$0xc];
	[sflag:s11] =	ssyncadd.s32 $0xFFFF8000  }
0xe8: {  	[hbm4b:s29+s2] =	stream.linear.scatter [tilespmem:s13], [sflag:$0x2], $0x8000, $0x38;
	[tilespmem:$0x18100] =	vst v63  }
0xe9: {  	_ =	swait.ge [sflag:s11], $0x8000  }
0xea: {  	[sflag:s11] =	ssyncset.done $0x0  }
0xeb: {  	s30 =	rddreg [dreg:$0xd];
	[sflag:s11] =	ssyncadd.s32 $0xFFFF8000  }
0xec: {  	[hbm4b:s30+s2] =	stream.linear.scatter [tilespmem:s9], [sflag:$0x2], $0x8000, $0x38;
	[tilespmem:$0x18100] =	vst v63  }
0xed: {  	_ =	swait.ge [sflag:s11], $0x8000  }
0xee: {  	[sflag:s11] =	ssyncset.done $0x0  }
0xef: {  	s31 =	rddreg [dreg:$0xe];
	[sflag:s11] =	ssyncadd.s32 $0xFFFF8000  }
0xf0: {  	[hbm4b:s31+s2] =	stream.linear.scatter [tilespmem:s8], [sflag:$0x2], $0x8000, $0x38;
	[tilespmem:$0x18100] =	vst v63  }
0xf1: {  	_ =	swait.ge [sflag:s7], $0x8000  }
0xf2: {  	[sflag:s7] =	ssyncset.done $0x0  }
0xf3: {  	[sflag:s7] =	ssyncadd.s32 $0xFFFF8000  }
0xf4: {  	_ =	swait.ge [sflag:s7], $0x8000  }
0xf5: {  	[sflag:s7] =	ssyncset.done $0x0  }
0xf6: {  	[sflag:s7] =	ssyncadd.s32 $0xFFFF8000  }
0xf7: {  	_ =	swait.ge [sflag:s7], $0x8000  }
0xf8: {  	[sflag:s7] =	ssyncset.done $0x0  }
0xf9: {  	[sflag:s7] =	ssyncadd.s32 $0xFFFF8000  }
0xfa: {  	_ =	sfence.sel $0x180000  }
0xfb: {  	[bflag:$0x0] =	sbarrier.arrive $0xFFFF  }
0xfc: {  	p0 =	sne.s32 s0, $0x0;
	_ =	strace $0x90000047  }
0xfd: {  	s0 =	sadd.s32 @!p0 $0x100000, s1;
	[bflag:$0x2] =	sbarrier.arrive $0xFFFF  }
0xfe: {  	[sflag:s0] =	ssyncadd.tile.s32 @!p0 $0x1;
	_ =	shalt  }
.Lfunc_end2:
_tile_overlayer_lowered:
.L_overlay_start_2:
0xff: {  	(tag) =	ssettag $0x2  }
0x100: {  	s0 =	rddreg [dreg:$0x0];
	s2 =	stileid.u32  }
0x101: {  	s1 =	rddreg [dreg:$0x1];
	p0 =	sne.s32 s2, $0x0  }
0x102: {  	s3 =	rddreg [dreg:$0x2];
	[bflag:$0x3] =	sbarrier.arrive $0xFFFF;
	s2 =	simm.s32 @!p0 $0x1C03  }
0x103: {  	[timem:s3], [sflag:s2] =	dma.local @!p0 [hbm:s0], s1  }
0x104: {  	s0 =	simm.s32 @!p0 $0x3  }
0x105: {  	_ =	swait.ge @!p0 [sflag:s0], s1  }
0x106: {  	s1 =	ssub.s32 @!p0 $0x0, s1;
	[sflag:s0] =	ssyncset.done @!p0 $0x0  }
0x107: {  	[sflag:s0] =	ssyncadd.s32 @!p0 s1  }
0x108: {  	[bflag:$0x3] =	sbarrier.arrive $0xFFFF  }
0x109: {  	_ =	shalt  }

</sc_bundles>
